<compile_context>
chip_gen: v7x
topology: tpu7x:2x2x1
jax: 0.10.2.dev20260603
libtpu: 0.0.44.dev20260713+nightly
codegen_flags: <defaults>
</compile_context>

<pallas_src>
import functools

import jax
import jax.numpy as jnp
from jax import lax
from jax.experimental import pallas as pl
from jax.experimental.pallas import tpu as pltpu
from jax.experimental.pallas import tpu_sc as plsc

N = 10000
E = 320000
R = 8

NC = 2
NS = 16
NW = NC * NS

K = 128
SPS = 160
E_PAD = SPS * NS * K
TOT_ROWS = E_PAD // K
NP = 10112
ROWS = NP // NS


def _mm1_kernel(x_ref, v_ref, comb_ref, loopw_ref, y_ref, loop_ref):
    w = jnp.sum(comb_ref[...][:, :, None, None] * v_ref[...][None], axis=1)
    x = x_ref[...]
    for p in range(R // 2):
        wp = jnp.concatenate([w[2 * p], w[2 * p + 1]], axis=-1)
        y_ref[p] = jnp.dot(x, wp, preferred_element_type=jnp.float32)
    loop_ref[...] = jnp.dot(x, loopw_ref[...], preferred_element_type=jnp.float32)


def _mm2_kernel(p_ref, loop1_ref, b1_ref, v_ref, comb_ref, loopw_ref,
                y_ref, loop_ref):
    h = p_ref[0] + p_ref[1] + loop1_ref[...] + b1_ref[...]
    h = jnp.maximum(h, 0.0)
    w = jnp.sum(comb_ref[...][:, :, None, None] * v_ref[...][None], axis=1)
    wcat = jnp.concatenate([w[r] for r in range(R)], axis=-1)
    y_ref[...] = jnp.dot(h, wcat, preferred_element_type=jnp.float32)
    loop_ref[...] = jnp.dot(h, loopw_ref[...], preferred_element_type=jnp.float32)


def _final_kernel(p_ref, loop2_ref, b2_ref, out_ref):
    i = pl.program_id(0)

    @pl.when(i == 0)
    def _():
        out_ref[...] = jnp.zeros_like(out_ref)

    h = p_ref[0] + p_ref[1] + loop2_ref[...] + b2_ref[...]
    h = jnp.maximum(h, 0.0)
    out_ref[...] += jnp.sum(h, axis=0, keepdims=True) * (1.0 / N)


def _make_sc_scatter(d, s0, pipelined=False, table_in_spmem=False):
    s1 = SPS - s0
    smax = max(s0, s1)
    smax_g = smax + 2 if pipelined else smax
    trows = R * N // NS
    mesh = plsc.VectorSubcoreMesh(core_axis_name="c", subcore_axis_name="s")

    scratch = [
        pltpu.VMEM((smax_g, K), jnp.int32),
        pltpu.VMEM((smax, K), jnp.int32),
        pltpu.VMEM((K, d), jnp.float32),
        pltpu.VMEM((K, d), jnp.float32),
        pltpu.VMEM_SHARED((NP, d), jnp.float32),
        pltpu.SemaphoreType.DMA,
        pltpu.SemaphoreType.DMA,
    ]
    if table_in_spmem:
        scratch.append(pltpu.VMEM_SHARED((R * N, d), jnp.float32))

    @functools.partial(
        pl.kernel,
        mesh=mesh,
        out_type=jax.ShapeDtypeStruct((NC, NP, d), jnp.float32),
        scratch_types=scratch,
        compiler_params=pltpu.CompilerParams(use_tc_tiling_on_sc=False),
    )
    def sc_kernel(gidx_hbm, didx_hbm, zeros_hbm, table_hbm, out_hbm,
                  gidx_v, didx_v, rows_a, rows_b, acc_sh, sem_a, sem_b,
                  *maybe_tab):
        cid = lax.axis_index("c")
        sid = lax.axis_index("s")
        base = sid * SPS + cid * s0
        steps = lax.select(cid == 0, s0, s1)

        pltpu.sync_copy(zeros_hbm.at[pl.ds(sid * ROWS, ROWS)],
                        acc_sh.at[pl.ds(sid * ROWS, ROWS)])
        if table_in_spmem:
            pltpu.sync_copy(table_hbm.at[pl.ds(sid * trows, trows)],
                            maybe_tab[0].at[pl.ds(sid * trows, trows)])
            table = maybe_tab[0]
        else:
            table = table_hbm
        pltpu.sync_copy(gidx_hbm.at[pl.ds(base, smax_g)], gidx_v)
        pltpu.sync_copy(didx_hbm.at[pl.ds(base, smax)], didx_v)
        plsc.subcore_barrier()

        if pipelined:
            pltpu.async_copy(table.at[gidx_v.at[0]], rows_a, sem_a)

            def body(i, carry):
                j = 2 * i
                pltpu.async_copy(table.at[gidx_v.at[j + 1]],
                                 rows_b, sem_b)
                pltpu.make_async_copy(table.at[gidx_v.at[j]],
                                      rows_a, sem_a).wait()
                pltpu.sync_copy(rows_a, acc_sh.at[didx_v.at[j]], add=True)
                pltpu.async_copy(table.at[gidx_v.at[j + 2]],
                                 rows_a, sem_a)
                pltpu.make_async_copy(table.at[gidx_v.at[j + 1]],
                                      rows_b, sem_b).wait()
                pltpu.sync_copy(rows_b, acc_sh.at[didx_v.at[j + 1]], add=True)
                return carry

            lax.fori_loop(0, steps // 2, body, 0)
            pltpu.make_async_copy(table.at[gidx_v.at[steps]],
                                  rows_a, sem_a).wait()
        else:
            def body(j, carry):
                pltpu.async_copy(table.at[gidx_v.at[j]],
                                 rows_a, sem_a).wait()
                pltpu.sync_copy(rows_a, acc_sh.at[didx_v.at[j]], add=True)
                return carry

            lax.fori_loop(0, steps, body, 0)
        plsc.subcore_barrier()

        pltpu.sync_copy(acc_sh.at[pl.ds(sid * ROWS, ROWS)],
                        out_hbm.at[cid, pl.ds(sid * ROWS, ROWS)])

    return sc_kernel


_EXTRA = 128
_sc_scatter_64 = _make_sc_scatter(64, 111)
_sc_scatter_16 = _make_sc_scatter(16, 92, pipelined=True, table_in_spmem=True)

_BN = 400
_GRID = N // _BN


def _mm1(x, v1, comb1, loop_w1):
    h = v1.shape[-1]
    return pl.pallas_call(
        _mm1_kernel,
        grid=(_GRID,),
        in_specs=[
            pl.BlockSpec((_BN, x.shape[1]), lambda i: (i, 0)),
            pl.BlockSpec(v1.shape, lambda i: (0, 0, 0)),
            pl.BlockSpec(comb1.shape, lambda i: (0, 0)),
            pl.BlockSpec(loop_w1.shape, lambda i: (0, 0)),
        ],
        out_specs=[
            pl.BlockSpec((R // 2, _BN, 128), lambda i: (0, i, 0)),
            pl.BlockSpec((_BN, h), lambda i: (i, 0)),
        ],
        out_shape=[
            jax.ShapeDtypeStruct((R // 2, N, 128), jnp.float32),
            jax.ShapeDtypeStruct((N, h), jnp.float32),
        ],
    )(x, v1, comb1, loop_w1)


def _mm2(parts, loop1, b1, v2, comb2, loop_w2):
    h = parts.shape[-1]
    c = v2.shape[-1]
    return pl.pallas_call(
        _mm2_kernel,
        grid=(_GRID,),
        in_specs=[
            pl.BlockSpec((NC, _BN, h), lambda i: (0, i, 0)),
            pl.BlockSpec((_BN, h), lambda i: (i, 0)),
            pl.BlockSpec((1, h), lambda i: (0, 0)),
            pl.BlockSpec(v2.shape, lambda i: (0, 0, 0)),
            pl.BlockSpec(comb2.shape, lambda i: (0, 0)),
            pl.BlockSpec(loop_w2.shape, lambda i: (0, 0)),
        ],
        out_specs=[
            pl.BlockSpec((_BN, 128), lambda i: (i, 0)),
            pl.BlockSpec((_BN, c), lambda i: (i, 0)),
        ],
        out_shape=[
            jax.ShapeDtypeStruct((N, 128), jnp.float32),
            jax.ShapeDtypeStruct((N, c), jnp.float32),
        ],
    )(parts, loop1, b1, v2, comb2, loop_w2)


def _final(parts, loop2, b2):
    c = parts.shape[-1]
    return pl.pallas_call(
        _final_kernel,
        grid=(_GRID,),
        in_specs=[
            pl.BlockSpec((NC, _BN, c), lambda i: (0, i, 0)),
            pl.BlockSpec((_BN, c), lambda i: (i, 0)),
            pl.BlockSpec((1, c), lambda i: (0, 0)),
        ],
        out_specs=pl.BlockSpec((1, c), lambda i: (0, 0)),
        out_shape=jax.ShapeDtypeStruct((1, c), jnp.float32),
    )(parts, loop2, b2)


def kernel(in_feat, edge_index, etypes, V1, comb1, loop_w1, b1,
           V2, comb2, loop_w2, b2):
    src = edge_index[0]
    dst = edge_index[1]
    et = etypes.reshape(-1)

    gidx1 = ((et >> 1) * (2 * N) + 2 * src + (et & 1)).astype(jnp.int32)
    gidx2 = (src * R + et).astype(jnp.int32)
    didx = dst.astype(jnp.int32)
    pad = E_PAD - E
    padx = pad + _EXTRA * K
    zpad = jnp.zeros((padx,), jnp.int32)
    gidx1 = jnp.concatenate([gidx1, zpad]).reshape(TOT_ROWS + _EXTRA, K)
    gidx2 = jnp.concatenate([gidx2, zpad]).reshape(TOT_ROWS + _EXTRA, K)
    didx = jnp.concatenate([didx, jnp.full((padx,), N, jnp.int32)])
    didx = didx.reshape(TOT_ROWS + _EXTRA, K)

    h = V1.shape[-1]
    c = V2.shape[-1]
    zeros_h = jnp.zeros((NP, h), jnp.float32)
    zeros_c = jnp.zeros((NP, c), jnp.float32)

    y1, loop1 = _mm1(in_feat, V1, comb1, loop_w1)
    parts1 = _sc_scatter_64(gidx1, didx, zeros_h, y1.reshape(R * N, h))

    y2, loop2 = _mm2(parts1, loop1, b1.reshape(1, h), V2, comb2, loop_w2)
    parts2 = _sc_scatter_16(gidx2, didx, zeros_c, y2.reshape(R * N, c))

    return _final(parts2, loop2, b2.reshape(1, c))

# --- scband reference (transcript-rebuilt; emitter-appended) ---
"""Pipeline reference for scband-rel-graph-conv-n-1451698946528 (READ-ONLY COPY).

The authoritative reference and input builder live on the scoring server;
editing this copy changes nothing except your own understanding.
"""

import jax, jax.numpy as jnp
import numpy as np

N = 10000
E = 320000
IN = 128
H = 64
C = 16
R = 8
B = 8  # num_bases = num_rels (DGL default for basis regularizer)


def setup_inputs(seed: int = 0) -> dict:
    key = jax.random.key(seed)
    ks = jax.random.split(key, 12)
    in_feat = jax.random.normal(ks[0], (N, IN), dtype=jnp.float32)
    edge_index = jax.random.randint(ks[1], (2, E), 0, N, dtype=jnp.int32)
    etypes = jax.random.randint(ks[2], (E,), 0, R, dtype=jnp.int32)
    # layer 1 params (basis regularizer): W_r = sum_b comb[r,b] * V[b]
    V1 = jax.random.normal(ks[3], (B, IN, H), dtype=jnp.float32) / np.sqrt(IN)
    comb1 = jax.random.normal(ks[4], (R, B), dtype=jnp.float32) / np.sqrt(B)
    loop_w1 = jax.random.normal(ks[5], (IN, H), dtype=jnp.float32) / np.sqrt(IN)
    b1 = jnp.zeros((H,), dtype=jnp.float32)
    # layer 2 params
    V2 = jax.random.normal(ks[6], (B, H, C), dtype=jnp.float32) / np.sqrt(H)
    comb2 = jax.random.normal(ks[7], (R, B), dtype=jnp.float32) / np.sqrt(B)
    loop_w2 = jax.random.normal(ks[8], (H, C), dtype=jnp.float32) / np.sqrt(H)
    b2 = jnp.zeros((C,), dtype=jnp.float32)
    return {
        "in_feat": in_feat, "edge_index": edge_index, "etypes": etypes,
        "V1": V1, "comb1": comb1, "loop_w1": loop_w1, "b1": b1,
        "V2": V2, "comb2": comb2, "loop_w2": loop_w2, "b2": b2,
    }


def _rel_graph_conv(x, src, dst, etypes, V, comb, loop_w, bias, num_nodes):
    # DGL RelGraphConv with regularizer='basis', self_loop=True, bias=True,
    # sum aggregation. msg_e = x[src_e] @ W_{etype_e}, W_r = sum_b comb[r,b] V_b
    h_src = jnp.take(x, src, axis=0)            # gather [E, in]
    coeff = jnp.take(comb, etypes, axis=0)      # gather [E, B]
    out_dim = V.shape[-1]
    msg = jnp.zeros((h_src.shape[0], out_dim), dtype=x.dtype)
    for b in range(V.shape[0]):
        msg = msg + coeff[:, b:b + 1] * (h_src @ V[b])
    agg = jax.ops.segment_sum(msg, dst, num_segments=num_nodes)  # scatter-add
    return agg + x @ loop_w + bias


def reference(in_feat, edge_index, etypes, V1, comb1, loop_w1, b1, V2, comb2, loop_w2, b2):
    src = edge_index[0]
    dst = edge_index[1]
    et = etypes.reshape(-1)
    h = _rel_graph_conv(in_feat, src, dst, et, V1, comb1, loop_w1, b1, N)
    h = jax.nn.relu(h)
    h = _rel_graph_conv(h, src, dst, et, V2, comb2, loop_w2, b2, N)
    h = jax.nn.relu(h)
    # dgl.mean_nodes on a single (non-batched) graph -> [1, num_classes]
    return jnp.mean(h, axis=0, keepdims=True)

if __name__ == "__main__":
    import jax
    _d = setup_inputs()
    print(jax.jit(kernel)(*tuple(_d.values())))

</pallas_src>

<mosaic_0001>
#map = affine_map<(d0, d1) -> (0, 0)>
#map1 = affine_map<(d0, d1) -> (0, 0, 0)>
module attributes {stable_mosaic.version = 14 : i64} {
  func.func @sc_kernel(%arg0: i32, %arg1: i32, %arg2: memref<2688x128xi32, #tpu.memory_space<hbm>>, %arg3: memref<2688x128xi32, #tpu.memory_space<hbm>>, %arg4: memref<10112x64xf32, #tpu.memory_space<hbm>>, %arg5: memref<80000x64xf32, #tpu.memory_space<hbm>>, %arg6: memref<2x10112x64xf32, #tpu.memory_space<hbm>>, %arg7: memref<111x128xi32, #tpu.memory_space<vmem>>, %arg8: memref<111x128xi32, #tpu.memory_space<vmem>>, %arg9: memref<128x64xf32, #tpu.memory_space<vmem>>, %arg10: memref<128x64xf32, #tpu.memory_space<vmem>>, %arg11: memref<10112x64xf32, #tpu.memory_space<vmem_shared>>, %arg12: memref<!tpu.dma_semaphore, #tpu.memory_space<semaphore_mem>>, %arg13: memref<!tpu.dma_semaphore, #tpu.memory_space<semaphore_mem>>) attributes {dimension_semantics = [#tpu.dimension_semantics<core_parallel>, #tpu.dimension_semantics<subcore_parallel>], iteration_bounds = array<i64: 2, 16>, scalar_prefetch = 0 : i64, scratch_operands = 7 : i64, tpu.core_type = #tpu.core_type<sc_vector_subcore>, window_params = [{transform_indices = #map}, {transform_indices = #map}, {transform_indices = #map}, {transform_indices = #map}, {transform_indices = #map1}]} {
    %mul3A = arith.constant 160 : i32
    %mul3A_0 = arith.muli %arg1, %mul3A : i32
    %mul3A_1 = arith.constant 111 : i32
    %mul3A_2 = arith.muli %arg0, %mul3A_1 : i32
    %add3A = arith.addi %mul3A_0, %mul3A_2 : i32
    %eq3A = arith.constant 0 : i32
    %eq3A_3 = arith.cmpi eq, %arg0, %eq3A : i32
    %select_n3A = arith.constant 49 : i32
    %select_n3A_4 = arith.constant 111 : i32
    %select_n3A_5 = arith.select %eq3A_3, %select_n3A_4, %select_n3A : i32
    %mul3A_6 = arith.constant 632 : i32
    %mul3A_7 = arith.muli %arg1, %mul3A_6 : i32
    %mul3A_8 = arith.constant 632 : i32
    %mul3A_9 = arith.muli %arg1, %mul3A_8 : i32
    "tpu.region"() ({
      %run_scoped3A = tpu.sem_alloc : memref<!tpu.dma_semaphore, #tpu.memory_space<semaphore_mem>>
      %dma_start3A = arith.constant 0 : i32
      %dma_start3A_24 = tpu.memref_slice %arg11[%mul3A_9, %dma_start3A] : memref<10112x64xf32, #tpu.memory_space<vmem_shared>> -> memref<632x64xf32, #tpu.memory_space<vmem_shared>>
      %dma_start3A_25 = arith.constant 0 : i32
      %dma_start3A_26 = tpu.memref_slice %arg4[%mul3A_7, %dma_start3A_25] : memref<10112x64xf32, #tpu.memory_space<hbm>> -> memref<632x64xf32, #tpu.memory_space<hbm>>
      tpu.enqueue_dma source(%dma_start3A_26 : memref<632x64xf32, #tpu.memory_space<hbm>>) target(%dma_start3A_24 : memref<632x64xf32, #tpu.memory_space<vmem_shared>>) target_semaphore(%run_scoped3A : memref<!tpu.dma_semaphore, #tpu.memory_space<semaphore_mem>>)
      %dma_wait3A = arith.constant 0 : i32
      %dma_wait3A_27 = tpu.memref_slice %arg11[%mul3A_9, %dma_wait3A] : memref<10112x64xf32, #tpu.memory_space<vmem_shared>> -> memref<632x64xf32, #tpu.memory_space<vmem_shared>>
      %dma_wait3A_28 = arith.constant 0 : i32
      %dma_wait3A_29 = tpu.memref_slice %arg4[%mul3A_7, %dma_wait3A_28] : memref<10112x64xf32, #tpu.memory_space<hbm>> -> memref<632x64xf32, #tpu.memory_space<hbm>>
      tpu.wait_dma2 semaphore(%run_scoped3A : memref<!tpu.dma_semaphore, #tpu.memory_space<semaphore_mem>>) src(%dma_wait3A_29 : memref<632x64xf32, #tpu.memory_space<hbm>>) dst(%dma_wait3A_27 : memref<632x64xf32, #tpu.memory_space<vmem_shared>>)
      tpu.yield
    }) : () -> ()
    "tpu.region"() ({
      %run_scoped3A = tpu.sem_alloc : memref<!tpu.dma_semaphore, #tpu.memory_space<semaphore_mem>>
      %dma_start3A = arith.constant 0 : i32
      %dma_start3A_24 = tpu.memref_slice %arg2[%add3A, %dma_start3A] : memref<2688x128xi32, #tpu.memory_space<hbm>> -> memref<111x128xi32, #tpu.memory_space<hbm>>
      %dma_start3A_25 = arith.constant 0 : i32
      %dma_start3A_26 = tpu.memref_slice %arg2[%add3A, %dma_start3A_25] : memref<2688x128xi32, #tpu.memory_space<hbm>> -> memref<111x128xi32, #tpu.memory_space<hbm>>
      tpu.enqueue_dma source(%dma_start3A_26 : memref<111x128xi32, #tpu.memory_space<hbm>>) target(%arg7 : memref<111x128xi32, #tpu.memory_space<vmem>>) target_semaphore(%run_scoped3A : memref<!tpu.dma_semaphore, #tpu.memory_space<semaphore_mem>>)
      %dma_wait3A = arith.constant 0 : i32
      %dma_wait3A_27 = tpu.memref_slice %arg2[%add3A, %dma_wait3A] : memref<2688x128xi32, #tpu.memory_space<hbm>> -> memref<111x128xi32, #tpu.memory_space<hbm>>
      %dma_wait3A_28 = arith.constant 0 : i32
      %dma_wait3A_29 = tpu.memref_slice %arg2[%add3A, %dma_wait3A_28] : memref<2688x128xi32, #tpu.memory_space<hbm>> -> memref<111x128xi32, #tpu.memory_space<hbm>>
      tpu.wait_dma2 semaphore(%run_scoped3A : memref<!tpu.dma_semaphore, #tpu.memory_space<semaphore_mem>>) src(%dma_wait3A_29 : memref<111x128xi32, #tpu.memory_space<hbm>>) dst(%arg7 : memref<111x128xi32, #tpu.memory_space<vmem>>)
      tpu.yield
    }) : () -> ()
    "tpu.region"() ({
      %run_scoped3A = tpu.sem_alloc : memref<!tpu.dma_semaphore, #tpu.memory_space<semaphore_mem>>
      %dma_start3A = arith.constant 0 : i32
      %dma_start3A_24 = tpu.memref_slice %arg3[%add3A, %dma_start3A] : memref<2688x128xi32, #tpu.memory_space<hbm>> -> memref<111x128xi32, #tpu.memory_space<hbm>>
      %dma_start3A_25 = arith.constant 0 : i32
      %dma_start3A_26 = tpu.memref_slice %arg3[%add3A, %dma_start3A_25] : memref<2688x128xi32, #tpu.memory_space<hbm>> -> memref<111x128xi32, #tpu.memory_space<hbm>>
      tpu.enqueue_dma source(%dma_start3A_26 : memref<111x128xi32, #tpu.memory_space<hbm>>) target(%arg8 : memref<111x128xi32, #tpu.memory_space<vmem>>) target_semaphore(%run_scoped3A : memref<!tpu.dma_semaphore, #tpu.memory_space<semaphore_mem>>)
      %dma_wait3A = arith.constant 0 : i32
      %dma_wait3A_27 = tpu.memref_slice %arg3[%add3A, %dma_wait3A] : memref<2688x128xi32, #tpu.memory_space<hbm>> -> memref<111x128xi32, #tpu.memory_space<hbm>>
      %dma_wait3A_28 = arith.constant 0 : i32
      %dma_wait3A_29 = tpu.memref_slice %arg3[%add3A, %dma_wait3A_28] : memref<2688x128xi32, #tpu.memory_space<hbm>> -> memref<111x128xi32, #tpu.memory_space<hbm>>
      tpu.wait_dma2 semaphore(%run_scoped3A : memref<!tpu.dma_semaphore, #tpu.memory_space<semaphore_mem>>) src(%dma_wait3A_29 : memref<111x128xi32, #tpu.memory_space<hbm>>) dst(%arg8 : memref<111x128xi32, #tpu.memory_space<vmem>>)
      tpu.yield
    }) : () -> ()
    %barrier3A = arith.constant 0 : index
    tpu.barrier barrier_id(%barrier3A)
    %while3A = arith.constant 0 : i32
    %while3A_10 = arith.constant 0 : i32
    %while3A_11 = arith.subi %select_n3A_5, %while3A_10 : i32
    %while3A_12 = arith.addi %while3A_10, %while3A_11 : i32
    %while3A_13 = arith.constant 1 : i32
    %while3A_14 = arith.divsi %while3A_11, %while3A_13 : i32
    %while3A_15 = arith.muli %while3A_14, %while3A_13 : i32
    %while3A_16 = arith.addi %while3A_10, %while3A_15 : i32
    %while3A_17 = arith.constant 1 : i32
    scf.for %while3A_24 = %while3A_10 to %while3A_16 step %while3A_17  : i32 {
      %dma_start3A = arith.constant 0 : i32
      %dma_start3A_25 = tpu.memref_slice %arg7[%while3A_24, %dma_start3A] : memref<111x128xi32, #tpu.memory_space<vmem>> -> memref<1x128xi32, #tpu.memory_space<vmem>>
      %dma_start3A_26 = tpu.memref_squeeze %dma_start3A_25 : memref<1x128xi32, #tpu.memory_space<vmem>> -> memref<128xi32, #tpu.memory_space<vmem>>
      %dma_start3A_27 = arith.constant 0 : i32
      %dma_start3A_28 = arith.constant 0 : i32
      %dma_start3A_29 = tpu.memref_slice %arg5[%dma_start3A_27, %dma_start3A_28] : memref<80000x64xf32, #tpu.memory_space<hbm>> -> memref<80000x64xf32, #tpu.memory_space<hbm>>
      tpu.enqueue_indirect_dma source(%dma_start3A_29 : memref<80000x64xf32, #tpu.memory_space<hbm>>) target(%arg9 : memref<128x64xf32, #tpu.memory_space<vmem>>) offsets(%dma_start3A_26 : memref<128xi32, #tpu.memory_space<vmem>>) semaphore(%arg12 : memref<!tpu.dma_semaphore, #tpu.memory_space<semaphore_mem>>)
      %dma_wait3A = arith.constant 0 : i32
      %dma_wait3A_30 = tpu.memref_slice %arg7[%while3A_24, %dma_wait3A] : memref<111x128xi32, #tpu.memory_space<vmem>> -> memref<1x128xi32, #tpu.memory_space<vmem>>
      %dma_wait3A_31 = tpu.memref_squeeze %dma_wait3A_30 : memref<1x128xi32, #tpu.memory_space<vmem>> -> memref<128xi32, #tpu.memory_space<vmem>>
      %dma_wait3A_32 = arith.constant 0 : i32
      %dma_wait3A_33 = arith.constant 0 : i32
      %dma_wait3A_34 = tpu.memref_slice %arg5[%dma_wait3A_32, %dma_wait3A_33] : memref<80000x64xf32, #tpu.memory_space<hbm>> -> memref<80000x64xf32, #tpu.memory_space<hbm>>
      tpu.wait_indirect_dma semaphore(%arg12 : memref<!tpu.dma_semaphore, #tpu.memory_space<semaphore_mem>>) src(%dma_wait3A_34 : memref<80000x64xf32, #tpu.memory_space<hbm>>) dst(%arg9 : memref<128x64xf32, #tpu.memory_space<vmem>>)
      "tpu.region"() ({
        %run_scoped3A = tpu.sem_alloc : memref<!tpu.dma_semaphore, #tpu.memory_space<semaphore_mem>>
        %dma_start3A_35 = arith.constant 0 : i32
        %dma_start3A_36 = tpu.memref_slice %arg8[%while3A_24, %dma_start3A_35] : memref<111x128xi32, #tpu.memory_space<vmem>> -> memref<1x128xi32, #tpu.memory_space<vmem>>
        %dma_start3A_37 = tpu.memref_squeeze %dma_start3A_36 : memref<1x128xi32, #tpu.memory_space<vmem>> -> memref<128xi32, #tpu.memory_space<vmem>>
        %dma_start3A_38 = arith.constant 0 : i32
        %dma_start3A_39 = arith.constant 0 : i32
        %dma_start3A_40 = tpu.memref_slice %arg11[%dma_start3A_38, %dma_start3A_39] : memref<10112x64xf32, #tpu.memory_space<vmem_shared>> -> memref<10112x64xf32, #tpu.memory_space<vmem_shared>>
        tpu.enqueue_indirect_dma source(%arg9 : memref<128x64xf32, #tpu.memory_space<vmem>>) target(%dma_start3A_40 : memref<10112x64xf32, #tpu.memory_space<vmem_shared>>) offsets(%dma_start3A_37 : memref<128xi32, #tpu.memory_space<vmem>>) semaphore(%run_scoped3A : memref<!tpu.dma_semaphore, #tpu.memory_space<semaphore_mem>>) {add = true}
        %dma_wait3A_41 = arith.constant 0 : i32
        %dma_wait3A_42 = tpu.memref_slice %arg8[%while3A_24, %dma_wait3A_41] : memref<111x128xi32, #tpu.memory_space<vmem>> -> memref<1x128xi32, #tpu.memory_space<vmem>>
        %dma_wait3A_43 = tpu.memref_squeeze %dma_wait3A_42 : memref<1x128xi32, #tpu.memory_space<vmem>> -> memref<128xi32, #tpu.memory_space<vmem>>
        %dma_wait3A_44 = arith.constant 0 : i32
        %dma_wait3A_45 = arith.constant 0 : i32
        %dma_wait3A_46 = tpu.memref_slice %arg11[%dma_wait3A_44, %dma_wait3A_45] : memref<10112x64xf32, #tpu.memory_space<vmem_shared>> -> memref<10112x64xf32, #tpu.memory_space<vmem_shared>>
        tpu.wait_indirect_dma semaphore(%run_scoped3A : memref<!tpu.dma_semaphore, #tpu.memory_space<semaphore_mem>>) src(%arg9 : memref<128x64xf32, #tpu.memory_space<vmem>>) dst(%dma_wait3A_46 : memref<10112x64xf32, #tpu.memory_space<vmem_shared>>)
        tpu.yield
      }) : () -> ()
    }
    %while3A_18 = arith.constant 1 : i32
    scf.for %while3A_24 = %while3A_16 to %while3A_12 step %while3A_18  : i32 {
      %dma_start3A = arith.constant 0 : i32
      %dma_start3A_25 = tpu.memref_slice %arg7[%while3A_24, %dma_start3A] : memref<111x128xi32, #tpu.memory_space<vmem>> -> memref<1x128xi32, #tpu.memory_space<vmem>>
      %dma_start3A_26 = tpu.memref_squeeze %dma_start3A_25 : memref<1x128xi32, #tpu.memory_space<vmem>> -> memref<128xi32, #tpu.memory_space<vmem>>
      %dma_start3A_27 = arith.constant 0 : i32
      %dma_start3A_28 = arith.constant 0 : i32
      %dma_start3A_29 = tpu.memref_slice %arg5[%dma_start3A_27, %dma_start3A_28] : memref<80000x64xf32, #tpu.memory_space<hbm>> -> memref<80000x64xf32, #tpu.memory_space<hbm>>
      tpu.enqueue_indirect_dma source(%dma_start3A_29 : memref<80000x64xf32, #tpu.memory_space<hbm>>) target(%arg9 : memref<128x64xf32, #tpu.memory_space<vmem>>) offsets(%dma_start3A_26 : memref<128xi32, #tpu.memory_space<vmem>>) semaphore(%arg12 : memref<!tpu.dma_semaphore, #tpu.memory_space<semaphore_mem>>)
      %dma_wait3A = arith.constant 0 : i32
      %dma_wait3A_30 = tpu.memref_slice %arg7[%while3A_24, %dma_wait3A] : memref<111x128xi32, #tpu.memory_space<vmem>> -> memref<1x128xi32, #tpu.memory_space<vmem>>
      %dma_wait3A_31 = tpu.memref_squeeze %dma_wait3A_30 : memref<1x128xi32, #tpu.memory_space<vmem>> -> memref<128xi32, #tpu.memory_space<vmem>>
      %dma_wait3A_32 = arith.constant 0 : i32
      %dma_wait3A_33 = arith.constant 0 : i32
      %dma_wait3A_34 = tpu.memref_slice %arg5[%dma_wait3A_32, %dma_wait3A_33] : memref<80000x64xf32, #tpu.memory_space<hbm>> -> memref<80000x64xf32, #tpu.memory_space<hbm>>
      tpu.wait_indirect_dma semaphore(%arg12 : memref<!tpu.dma_semaphore, #tpu.memory_space<semaphore_mem>>) src(%dma_wait3A_34 : memref<80000x64xf32, #tpu.memory_space<hbm>>) dst(%arg9 : memref<128x64xf32, #tpu.memory_space<vmem>>)
      "tpu.region"() ({
        %run_scoped3A = tpu.sem_alloc : memref<!tpu.dma_semaphore, #tpu.memory_space<semaphore_mem>>
        %dma_start3A_35 = arith.constant 0 : i32
        %dma_start3A_36 = tpu.memref_slice %arg8[%while3A_24, %dma_start3A_35] : memref<111x128xi32, #tpu.memory_space<vmem>> -> memref<1x128xi32, #tpu.memory_space<vmem>>
        %dma_start3A_37 = tpu.memref_squeeze %dma_start3A_36 : memref<1x128xi32, #tpu.memory_space<vmem>> -> memref<128xi32, #tpu.memory_space<vmem>>
        %dma_start3A_38 = arith.constant 0 : i32
        %dma_start3A_39 = arith.constant 0 : i32
        %dma_start3A_40 = tpu.memref_slice %arg11[%dma_start3A_38, %dma_start3A_39] : memref<10112x64xf32, #tpu.memory_space<vmem_shared>> -> memref<10112x64xf32, #tpu.memory_space<vmem_shared>>
        tpu.enqueue_indirect_dma source(%arg9 : memref<128x64xf32, #tpu.memory_space<vmem>>) target(%dma_start3A_40 : memref<10112x64xf32, #tpu.memory_space<vmem_shared>>) offsets(%dma_start3A_37 : memref<128xi32, #tpu.memory_space<vmem>>) semaphore(%run_scoped3A : memref<!tpu.dma_semaphore, #tpu.memory_space<semaphore_mem>>) {add = true}
        %dma_wait3A_41 = arith.constant 0 : i32
        %dma_wait3A_42 = tpu.memref_slice %arg8[%while3A_24, %dma_wait3A_41] : memref<111x128xi32, #tpu.memory_space<vmem>> -> memref<1x128xi32, #tpu.memory_space<vmem>>
        %dma_wait3A_43 = tpu.memref_squeeze %dma_wait3A_42 : memref<1x128xi32, #tpu.memory_space<vmem>> -> memref<128xi32, #tpu.memory_space<vmem>>
        %dma_wait3A_44 = arith.constant 0 : i32
        %dma_wait3A_45 = arith.constant 0 : i32
        %dma_wait3A_46 = tpu.memref_slice %arg11[%dma_wait3A_44, %dma_wait3A_45] : memref<10112x64xf32, #tpu.memory_space<vmem_shared>> -> memref<10112x64xf32, #tpu.memory_space<vmem_shared>>
        tpu.wait_indirect_dma semaphore(%run_scoped3A : memref<!tpu.dma_semaphore, #tpu.memory_space<semaphore_mem>>) src(%arg9 : memref<128x64xf32, #tpu.memory_space<vmem>>) dst(%dma_wait3A_46 : memref<10112x64xf32, #tpu.memory_space<vmem_shared>>)
        tpu.yield
      }) : () -> ()
    }
    %barrier3A_19 = arith.constant 0 : index
    tpu.barrier barrier_id(%barrier3A_19)
    %mul3A_20 = arith.constant 632 : i32
    %mul3A_21 = arith.muli %arg1, %mul3A_20 : i32
    %mul3A_22 = arith.constant 632 : i32
    %mul3A_23 = arith.muli %arg1, %mul3A_22 : i32
    "tpu.region"() ({
      %run_scoped3A = tpu.sem_alloc : memref<!tpu.dma_semaphore, #tpu.memory_space<semaphore_mem>>
      %dma_start3A = arith.constant 0 : i32
      %dma_start3A_24 = tpu.memref_slice %arg6[%arg0, %mul3A_23, %dma_start3A] : memref<2x10112x64xf32, #tpu.memory_space<hbm>> -> memref<1x632x64xf32, #tpu.memory_space<hbm>>
      %dma_start3A_25 = tpu.memref_squeeze %dma_start3A_24 : memref<1x632x64xf32, #tpu.memory_space<hbm>> -> memref<632x64xf32, #tpu.memory_space<hbm>>
      %dma_start3A_26 = arith.constant 0 : i32
      %dma_start3A_27 = tpu.memref_slice %arg11[%mul3A_21, %dma_start3A_26] : memref<10112x64xf32, #tpu.memory_space<vmem_shared>> -> memref<632x64xf32, #tpu.memory_space<vmem_shared>>
      tpu.enqueue_dma source(%dma_start3A_27 : memref<632x64xf32, #tpu.memory_space<vmem_shared>>) target(%dma_start3A_25 : memref<632x64xf32, #tpu.memory_space<hbm>>) target_semaphore(%run_scoped3A : memref<!tpu.dma_semaphore, #tpu.memory_space<semaphore_mem>>)
      %dma_wait3A = arith.constant 0 : i32
      %dma_wait3A_28 = tpu.memref_slice %arg6[%arg0, %mul3A_23, %dma_wait3A] : memref<2x10112x64xf32, #tpu.memory_space<hbm>> -> memref<1x632x64xf32, #tpu.memory_space<hbm>>
      %dma_wait3A_29 = tpu.memref_squeeze %dma_wait3A_28 : memref<1x632x64xf32, #tpu.memory_space<hbm>> -> memref<632x64xf32, #tpu.memory_space<hbm>>
      %dma_wait3A_30 = arith.constant 0 : i32
      %dma_wait3A_31 = tpu.memref_slice %arg11[%mul3A_21, %dma_wait3A_30] : memref<10112x64xf32, #tpu.memory_space<vmem_shared>> -> memref<632x64xf32, #tpu.memory_space<vmem_shared>>
      tpu.wait_dma2 semaphore(%run_scoped3A : memref<!tpu.dma_semaphore, #tpu.memory_space<semaphore_mem>>) src(%dma_wait3A_31 : memref<632x64xf32, #tpu.memory_space<vmem_shared>>) dst(%dma_wait3A_29 : memref<632x64xf32, #tpu.memory_space<hbm>>)
      tpu.yield
    }) : () -> ()
    return
  }
}

#map = affine_map<(d0, d1) -> (0, 0)>
#map1 = affine_map<(d0, d1) -> (0, 0, 0)>
module attributes {stable_mosaic.version = 14 : i64} {
  func.func @sc_kernel(%arg0: i32, %arg1: i32, %arg2: memref<2688x128xi32, #tpu.memory_space<hbm>>, %arg3: memref<2688x128xi32, #tpu.memory_space<hbm>>, %arg4: memref<10112x16xf32, #tpu.memory_space<hbm>>, %arg5: memref<80000x16xf32, #tpu.memory_space<hbm>>, %arg6: memref<2x10112x16xf32, #tpu.memory_space<hbm>>, %arg7: memref<94x128xi32, #tpu.memory_space<vmem>>, %arg8: memref<92x128xi32, #tpu.memory_space<vmem>>, %arg9: memref<128x16xf32, #tpu.memory_space<vmem>>, %arg10: memref<128x16xf32, #tpu.memory_space<vmem>>, %arg11: memref<10112x16xf32, #tpu.memory_space<vmem_shared>>, %arg12: memref<!tpu.dma_semaphore, #tpu.memory_space<semaphore_mem>>, %arg13: memref<!tpu.dma_semaphore, #tpu.memory_space<semaphore_mem>>, %arg14: memref<80000x16xf32, #tpu.memory_space<vmem_shared>>) attributes {dimension_semantics = [#tpu.dimension_semantics<core_parallel>, #tpu.dimension_semantics<subcore_parallel>], iteration_bounds = array<i64: 2, 16>, scalar_prefetch = 0 : i64, scratch_operands = 8 : i64, tpu.core_type = #tpu.core_type<sc_vector_subcore>, window_params = [{transform_indices = #map}, {transform_indices = #map}, {transform_indices = #map}, {transform_indices = #map}, {transform_indices = #map1}]} {
    %mul3A = arith.constant 160 : i32
    %mul3A_0 = arith.muli %arg1, %mul3A : i32
    %mul3A_1 = arith.constant 92 : i32
    %mul3A_2 = arith.muli %arg0, %mul3A_1 : i32
    %add3A = arith.addi %mul3A_0, %mul3A_2 : i32
    %eq3A = arith.constant 0 : i32
    %eq3A_3 = arith.cmpi eq, %arg0, %eq3A : i32
    %select_n3A = arith.constant 68 : i32
    %select_n3A_4 = arith.constant 92 : i32
    %select_n3A_5 = arith.select %eq3A_3, %select_n3A_4, %select_n3A : i32
    %mul3A_6 = arith.constant 632 : i32
    %mul3A_7 = arith.muli %arg1, %mul3A_6 : i32
    %mul3A_8 = arith.constant 632 : i32
    %mul3A_9 = arith.muli %arg1, %mul3A_8 : i32
    "tpu.region"() ({
      %run_scoped3A = tpu.sem_alloc : memref<!tpu.dma_semaphore, #tpu.memory_space<semaphore_mem>>
      %dma_start3A_56 = arith.constant 0 : i32
      %dma_start3A_57 = tpu.memref_slice %arg11[%mul3A_9, %dma_start3A_56] : memref<10112x16xf32, #tpu.memory_space<vmem_shared>> -> memref<632x16xf32, #tpu.memory_space<vmem_shared>>
      %dma_start3A_58 = arith.constant 0 : i32
      %dma_start3A_59 = tpu.memref_slice %arg4[%mul3A_7, %dma_start3A_58] : memref<10112x16xf32, #tpu.memory_space<hbm>> -> memref<632x16xf32, #tpu.memory_space<hbm>>
      tpu.enqueue_dma source(%dma_start3A_59 : memref<632x16xf32, #tpu.memory_space<hbm>>) target(%dma_start3A_57 : memref<632x16xf32, #tpu.memory_space<vmem_shared>>) target_semaphore(%run_scoped3A : memref<!tpu.dma_semaphore, #tpu.memory_space<semaphore_mem>>)
      %dma_wait3A_60 = arith.constant 0 : i32
      %dma_wait3A_61 = tpu.memref_slice %arg11[%mul3A_9, %dma_wait3A_60] : memref<10112x16xf32, #tpu.memory_space<vmem_shared>> -> memref<632x16xf32, #tpu.memory_space<vmem_shared>>
      %dma_wait3A_62 = arith.constant 0 : i32
      %dma_wait3A_63 = tpu.memref_slice %arg4[%mul3A_7, %dma_wait3A_62] : memref<10112x16xf32, #tpu.memory_space<hbm>> -> memref<632x16xf32, #tpu.memory_space<hbm>>
      tpu.wait_dma2 semaphore(%run_scoped3A : memref<!tpu.dma_semaphore, #tpu.memory_space<semaphore_mem>>) src(%dma_wait3A_63 : memref<632x16xf32, #tpu.memory_space<hbm>>) dst(%dma_wait3A_61 : memref<632x16xf32, #tpu.memory_space<vmem_shared>>)
      tpu.yield
    }) : () -> ()
    %mul3A_10 = arith.constant 5000 : i32
    %mul3A_11 = arith.muli %arg1, %mul3A_10 : i32
    %mul3A_12 = arith.constant 5000 : i32
    %mul3A_13 = arith.muli %arg1, %mul3A_12 : i32
    "tpu.region"() ({
      %run_scoped3A = tpu.sem_alloc : memref<!tpu.dma_semaphore, #tpu.memory_space<semaphore_mem>>
      %dma_start3A_56 = arith.constant 0 : i32
      %dma_start3A_57 = tpu.memref_slice %arg14[%mul3A_13, %dma_start3A_56] : memref<80000x16xf32, #tpu.memory_space<vmem_shared>> -> memref<5000x16xf32, #tpu.memory_space<vmem_shared>>
      %dma_start3A_58 = arith.constant 0 : i32
      %dma_start3A_59 = tpu.memref_slice %arg5[%mul3A_11, %dma_start3A_58] : memref<80000x16xf32, #tpu.memory_space<hbm>> -> memref<5000x16xf32, #tpu.memory_space<hbm>>
      tpu.enqueue_dma source(%dma_start3A_59 : memref<5000x16xf32, #tpu.memory_space<hbm>>) target(%dma_start3A_57 : memref<5000x16xf32, #tpu.memory_space<vmem_shared>>) target_semaphore(%run_scoped3A : memref<!tpu.dma_semaphore, #tpu.memory_space<semaphore_mem>>)
      %dma_wait3A_60 = arith.constant 0 : i32
      %dma_wait3A_61 = tpu.memref_slice %arg14[%mul3A_13, %dma_wait3A_60] : memref<80000x16xf32, #tpu.memory_space<vmem_shared>> -> memref<5000x16xf32, #tpu.memory_space<vmem_shared>>
      %dma_wait3A_62 = arith.constant 0 : i32
      %dma_wait3A_63 = tpu.memref_slice %arg5[%mul3A_11, %dma_wait3A_62] : memref<80000x16xf32, #tpu.memory_space<hbm>> -> memref<5000x16xf32, #tpu.memory_space<hbm>>
      tpu.wait_dma2 semaphore(%run_scoped3A : memref<!tpu.dma_semaphore, #tpu.memory_space<semaphore_mem>>) src(%dma_wait3A_63 : memref<5000x16xf32, #tpu.memory_space<hbm>>) dst(%dma_wait3A_61 : memref<5000x16xf32, #tpu.memory_space<vmem_shared>>)
      tpu.yield
    }) : () -> ()
    "tpu.region"() ({
      %run_scoped3A = tpu.sem_alloc : memref<!tpu.dma_semaphore, #tpu.memory_space<semaphore_mem>>
      %dma_start3A_56 = arith.constant 0 : i32
      %dma_start3A_57 = tpu.memref_slice %arg2[%add3A, %dma_start3A_56] : memref<2688x128xi32, #tpu.memory_space<hbm>> -> memref<94x128xi32, #tpu.memory_space<hbm>>
      %dma_start3A_58 = arith.constant 0 : i32
      %dma_start3A_59 = tpu.memref_slice %arg2[%add3A, %dma_start3A_58] : memref<2688x128xi32, #tpu.memory_space<hbm>> -> memref<94x128xi32, #tpu.memory_space<hbm>>
      tpu.enqueue_dma source(%dma_start3A_59 : memref<94x128xi32, #tpu.memory_space<hbm>>) target(%arg7 : memref<94x128xi32, #tpu.memory_space<vmem>>) target_semaphore(%run_scoped3A : memref<!tpu.dma_semaphore, #tpu.memory_space<semaphore_mem>>)
      %dma_wait3A_60 = arith.constant 0 : i32
      %dma_wait3A_61 = tpu.memref_slice %arg2[%add3A, %dma_wait3A_60] : memref<2688x128xi32, #tpu.memory_space<hbm>> -> memref<94x128xi32, #tpu.memory_space<hbm>>
      %dma_wait3A_62 = arith.constant 0 : i32
      %dma_wait3A_63 = tpu.memref_slice %arg2[%add3A, %dma_wait3A_62] : memref<2688x128xi32, #tpu.memory_space<hbm>> -> memref<94x128xi32, #tpu.memory_space<hbm>>
      tpu.wait_dma2 semaphore(%run_scoped3A : memref<!tpu.dma_semaphore, #tpu.memory_space<semaphore_mem>>) src(%dma_wait3A_63 : memref<94x128xi32, #tpu.memory_space<hbm>>) dst(%arg7 : memref<94x128xi32, #tpu.memory_space<vmem>>)
      tpu.yield
    }) : () -> ()
    "tpu.region"() ({
      %run_scoped3A = tpu.sem_alloc : memref<!tpu.dma_semaphore, #tpu.memory_space<semaphore_mem>>
      %dma_start3A_56 = arith.constant 0 : i32
      %dma_start3A_57 = tpu.memref_slice %arg3[%add3A, %dma_start3A_56] : memref<2688x128xi32, #tpu.memory_space<hbm>> -> memref<92x128xi32, #tpu.memory_space<hbm>>
      %dma_start3A_58 = arith.constant 0 : i32
      %dma_start3A_59 = tpu.memref_slice %arg3[%add3A, %dma_start3A_58] : memref<2688x128xi32, #tpu.memory_space<hbm>> -> memref<92x128xi32, #tpu.memory_space<hbm>>
      tpu.enqueue_dma source(%dma_start3A_59 : memref<92x128xi32, #tpu.memory_space<hbm>>) target(%arg8 : memref<92x128xi32, #tpu.memory_space<vmem>>) target_semaphore(%run_scoped3A : memref<!tpu.dma_semaphore, #tpu.memory_space<semaphore_mem>>)
      %dma_wait3A_60 = arith.constant 0 : i32
      %dma_wait3A_61 = tpu.memref_slice %arg3[%add3A, %dma_wait3A_60] : memref<2688x128xi32, #tpu.memory_space<hbm>> -> memref<92x128xi32, #tpu.memory_space<hbm>>
      %dma_wait3A_62 = arith.constant 0 : i32
      %dma_wait3A_63 = tpu.memref_slice %arg3[%add3A, %dma_wait3A_62] : memref<2688x128xi32, #tpu.memory_space<hbm>> -> memref<92x128xi32, #tpu.memory_space<hbm>>
      tpu.wait_dma2 semaphore(%run_scoped3A : memref<!tpu.dma_semaphore, #tpu.memory_space<semaphore_mem>>) src(%dma_wait3A_63 : memref<92x128xi32, #tpu.memory_space<hbm>>) dst(%arg8 : memref<92x128xi32, #tpu.memory_space<vmem>>)
      tpu.yield
    }) : () -> ()
    %barrier3A = arith.constant 0 : index
    tpu.barrier barrier_id(%barrier3A)
    %dma_start3A = arith.constant 0 : i32
    %dma_start3A_14 = arith.constant 0 : i32
    %dma_start3A_15 = tpu.memref_slice %arg7[%dma_start3A, %dma_start3A_14] : memref<94x128xi32, #tpu.memory_space<vmem>> -> memref<1x128xi32, #tpu.memory_space<vmem>>
    %dma_start3A_16 = tpu.memref_squeeze %dma_start3A_15 : memref<1x128xi32, #tpu.memory_space<vmem>> -> memref<128xi32, #tpu.memory_space<vmem>>
    %dma_start3A_17 = arith.constant 0 : i32
    %dma_start3A_18 = arith.constant 0 : i32
    %dma_start3A_19 = tpu.memref_slice %arg14[%dma_start3A_17, %dma_start3A_18] : memref<80000x16xf32, #tpu.memory_space<vmem_shared>> -> memref<80000x16xf32, #tpu.memory_space<vmem_shared>>
    tpu.enqueue_indirect_dma source(%dma_start3A_19 : memref<80000x16xf32, #tpu.memory_space<vmem_shared>>) target(%arg9 : memref<128x16xf32, #tpu.memory_space<vmem>>) offsets(%dma_start3A_16 : memref<128xi32, #tpu.memory_space<vmem>>) semaphore(%arg12 : memref<!tpu.dma_semaphore, #tpu.memory_space<semaphore_mem>>)
    %jit3A = arith.constant 2 : i32
    %div3A = arith.divsi %select_n3A_5, %jit3A : i32
    %sign3A = arith.constant 0 : i32
    %sign3A_20 = arith.cmpi sgt, %select_n3A_5, %sign3A : i32
    %sign3A_21 = arith.extui %sign3A_20 : i1 to i32
    %sign3A_22 = arith.constant 0 : i32
    %sign3A_23 = arith.cmpi slt, %select_n3A_5, %sign3A_22 : i32
    %sign3A_24 = arith.extui %sign3A_23 : i1 to i32
    %sign3A_25 = arith.subi %sign3A_21, %sign3A_24 : i32
    %sign3A_26 = arith.constant 0 : i32
    %sign3A_27 = arith.cmpi sgt, %jit3A, %sign3A_26 : i32
    %sign3A_28 = arith.extui %sign3A_27 : i1 to i32
    %sign3A_29 = arith.constant 0 : i32
    %sign3A_30 = arith.cmpi slt, %jit3A, %sign3A_29 : i32
    %sign3A_31 = arith.extui %sign3A_30 : i1 to i32
    %sign3A_32 = arith.subi %sign3A_28, %sign3A_31 : i32
    %ne3A = arith.cmpi ne, %sign3A_25, %sign3A_32 : i32
    %rem3A = arith.remsi %select_n3A_5, %jit3A : i32
    %ne3A_33 = arith.constant 0 : i32
    %ne3A_34 = arith.cmpi ne, %rem3A, %ne3A_33 : i32
    %and3A = arith.andi %ne3A, %ne3A_34 : i1
    %sub3A = arith.constant 1 : i32
    %sub3A_35 = arith.subi %div3A, %sub3A : i32
    %select_n3A_36 = arith.select %and3A, %sub3A_35, %div3A : i32
    %while3A = arith.constant 0 : i32
    %while3A_37 = arith.constant 0 : i32
    %while3A_38 = arith.subi %select_n3A_36, %while3A_37 : i32
    %while3A_39 = arith.addi %while3A_37, %while3A_38 : i32
    %while3A_40 = arith.constant 1 : i32
    %while3A_41 = arith.divsi %while3A_38, %while3A_40 : i32
    %while3A_42 = arith.muli %while3A_41, %while3A_40 : i32
    %while3A_43 = arith.addi %while3A_37, %while3A_42 : i32
    %while3A_44 = arith.constant 1 : i32
    scf.for %while3A_56 = %while3A_37 to %while3A_43 step %while3A_44  : i32 {
      %mul3A_57 = arith.constant 2 : i32
      %mul3A_58 = arith.muli %mul3A_57, %while3A_56 : i32
      %add3A_59 = arith.constant 1 : i32
      %add3A_60 = arith.addi %mul3A_58, %add3A_59 : i32
      %dma_start3A_61 = arith.constant 0 : i32
      %dma_start3A_62 = tpu.memref_slice %arg7[%add3A_60, %dma_start3A_61] : memref<94x128xi32, #tpu.memory_space<vmem>> -> memref<1x128xi32, #tpu.memory_space<vmem>>
      %dma_start3A_63 = tpu.memref_squeeze %dma_start3A_62 : memref<1x128xi32, #tpu.memory_space<vmem>> -> memref<128xi32, #tpu.memory_space<vmem>>
      %dma_start3A_64 = arith.constant 0 : i32
      %dma_start3A_65 = arith.constant 0 : i32
      %dma_start3A_66 = tpu.memref_slice %arg14[%dma_start3A_64, %dma_start3A_65] : memref<80000x16xf32, #tpu.memory_space<vmem_shared>> -> memref<80000x16xf32, #tpu.memory_space<vmem_shared>>
      tpu.enqueue_indirect_dma source(%dma_start3A_66 : memref<80000x16xf32, #tpu.memory_space<vmem_shared>>) target(%arg10 : memref<128x16xf32, #tpu.memory_space<vmem>>) offsets(%dma_start3A_63 : memref<128xi32, #tpu.memory_space<vmem>>) semaphore(%arg13 : memref<!tpu.dma_semaphore, #tpu.memory_space<semaphore_mem>>)
      %dma_wait3A_67 = arith.constant 0 : i32
      %dma_wait3A_68 = tpu.memref_slice %arg7[%mul3A_58, %dma_wait3A_67] : memref<94x128xi32, #tpu.memory_space<vmem>> -> memref<1x128xi32, #tpu.memory_space<vmem>>
      %dma_wait3A_69 = tpu.memref_squeeze %dma_wait3A_68 : memref<1x128xi32, #tpu.memory_space<vmem>> -> memref<128xi32, #tpu.memory_space<vmem>>
      %dma_wait3A_70 = arith.constant 0 : i32
      %dma_wait3A_71 = arith.constant 0 : i32
      %dma_wait3A_72 = tpu.memref_slice %arg14[%dma_wait3A_70, %dma_wait3A_71] : memref<80000x16xf32, #tpu.memory_space<vmem_shared>> -> memref<80000x16xf32, #tpu.memory_space<vmem_shared>>
      tpu.wait_indirect_dma semaphore(%arg12 : memref<!tpu.dma_semaphore, #tpu.memory_space<semaphore_mem>>) src(%dma_wait3A_72 : memref<80000x16xf32, #tpu.memory_space<vmem_shared>>) dst(%arg9 : memref<128x16xf32, #tpu.memory_space<vmem>>)
      "tpu.region"() ({
        %run_scoped3A = tpu.sem_alloc : memref<!tpu.dma_semaphore, #tpu.memory_space<semaphore_mem>>
        %dma_start3A_91 = arith.constant 0 : i32
        %dma_start3A_92 = tpu.memref_slice %arg8[%mul3A_58, %dma_start3A_91] : memref<92x128xi32, #tpu.memory_space<vmem>> -> memref<1x128xi32, #tpu.memory_space<vmem>>
        %dma_start3A_93 = tpu.memref_squeeze %dma_start3A_92 : memref<1x128xi32, #tpu.memory_space<vmem>> -> memref<128xi32, #tpu.memory_space<vmem>>
        %dma_start3A_94 = arith.constant 0 : i32
        %dma_start3A_95 = arith.constant 0 : i32
        %dma_start3A_96 = tpu.memref_slice %arg11[%dma_start3A_94, %dma_start3A_95] : memref<10112x16xf32, #tpu.memory_space<vmem_shared>> -> memref<10112x16xf32, #tpu.memory_space<vmem_shared>>
        tpu.enqueue_indirect_dma source(%arg9 : memref<128x16xf32, #tpu.memory_space<vmem>>) target(%dma_start3A_96 : memref<10112x16xf32, #tpu.memory_space<vmem_shared>>) offsets(%dma_start3A_93 : memref<128xi32, #tpu.memory_space<vmem>>) semaphore(%run_scoped3A : memref<!tpu.dma_semaphore, #tpu.memory_space<semaphore_mem>>) {add = true}
        %dma_wait3A_97 = arith.constant 0 : i32
        %dma_wait3A_98 = tpu.memref_slice %arg8[%mul3A_58, %dma_wait3A_97] : memref<92x128xi32, #tpu.memory_space<vmem>> -> memref<1x128xi32, #tpu.memory_space<vmem>>
        %dma_wait3A_99 = tpu.memref_squeeze %dma_wait3A_98 : memref<1x128xi32, #tpu.memory_space<vmem>> -> memref<128xi32, #tpu.memory_space<vmem>>
        %dma_wait3A_100 = arith.constant 0 : i32
        %dma_wait3A_101 = arith.constant 0 : i32
        %dma_wait3A_102 = tpu.memref_slice %arg11[%dma_wait3A_100, %dma_wait3A_101] : memref<10112x16xf32, #tpu.memory_space<vmem_shared>> -> memref<10112x16xf32, #tpu.memory_space<vmem_shared>>
        tpu.wait_indirect_dma semaphore(%run_scoped3A : memref<!tpu.dma_semaphore, #tpu.memory_space<semaphore_mem>>) src(%arg9 : memref<128x16xf32, #tpu.memory_space<vmem>>) dst(%dma_wait3A_102 : memref<10112x16xf32, #tpu.memory_space<vmem_shared>>)
        tpu.yield
      }) : () -> ()
      %add3A_73 = arith.constant 2 : i32
      %add3A_74 = arith.addi %mul3A_58, %add3A_73 : i32
      %dma_start3A_75 = arith.constant 0 : i32
      %dma_start3A_76 = tpu.memref_slice %arg7[%add3A_74, %dma_start3A_75] : memref<94x128xi32, #tpu.memory_space<vmem>> -> memref<1x128xi32, #tpu.memory_space<vmem>>
      %dma_start3A_77 = tpu.memref_squeeze %dma_start3A_76 : memref<1x128xi32, #tpu.memory_space<vmem>> -> memref<128xi32, #tpu.memory_space<vmem>>
      %dma_start3A_78 = arith.constant 0 : i32
      %dma_start3A_79 = arith.constant 0 : i32
      %dma_start3A_80 = tpu.memref_slice %arg14[%dma_start3A_78, %dma_start3A_79] : memref<80000x16xf32, #tpu.memory_space<vmem_shared>> -> memref<80000x16xf32, #tpu.memory_space<vmem_shared>>
      tpu.enqueue_indirect_dma source(%dma_start3A_80 : memref<80000x16xf32, #tpu.memory_space<vmem_shared>>) target(%arg9 : memref<128x16xf32, #tpu.memory_space<vmem>>) offsets(%dma_start3A_77 : memref<128xi32, #tpu.memory_space<vmem>>) semaphore(%arg12 : memref<!tpu.dma_semaphore, #tpu.memory_space<semaphore_mem>>)
      %add3A_81 = arith.constant 1 : i32
      %add3A_82 = arith.addi %mul3A_58, %add3A_81 : i32
      %dma_wait3A_83 = arith.constant 0 : i32
      %dma_wait3A_84 = tpu.memref_slice %arg7[%add3A_82, %dma_wait3A_83] : memref<94x128xi32, #tpu.memory_space<vmem>> -> memref<1x128xi32, #tpu.memory_space<vmem>>
      %dma_wait3A_85 = tpu.memref_squeeze %dma_wait3A_84 : memref<1x128xi32, #tpu.memory_space<vmem>> -> memref<128xi32, #tpu.memory_space<vmem>>
      %dma_wait3A_86 = arith.constant 0 : i32
      %dma_wait3A_87 = arith.constant 0 : i32
      %dma_wait3A_88 = tpu.memref_slice %arg14[%dma_wait3A_86, %dma_wait3A_87] : memref<80000x16xf32, #tpu.memory_space<vmem_shared>> -> memref<80000x16xf32, #tpu.memory_space<vmem_shared>>
      tpu.wait_indirect_dma semaphore(%arg13 : memref<!tpu.dma_semaphore, #tpu.memory_space<semaphore_mem>>) src(%dma_wait3A_88 : memref<80000x16xf32, #tpu.memory_space<vmem_shared>>) dst(%arg10 : memref<128x16xf32, #tpu.memory_space<vmem>>)
      %add3A_89 = arith.constant 1 : i32
      %add3A_90 = arith.addi %mul3A_58, %add3A_89 : i32
      "tpu.region"() ({
        %run_scoped3A = tpu.sem_alloc : memref<!tpu.dma_semaphore, #tpu.memory_space<semaphore_mem>>
        %dma_start3A_91 = arith.constant 0 : i32
        %dma_start3A_92 = tpu.memref_slice %arg8[%add3A_90, %dma_start3A_91] : memref<92x128xi32, #tpu.memory_space<vmem>> -> memref<1x128xi32, #tpu.memory_space<vmem>>
        %dma_start3A_93 = tpu.memref_squeeze %dma_start3A_92 : memref<1x128xi32, #tpu.memory_space<vmem>> -> memref<128xi32, #tpu.memory_space<vmem>>
        %dma_start3A_94 = arith.constant 0 : i32
        %dma_start3A_95 = arith.constant 0 : i32
        %dma_start3A_96 = tpu.memref_slice %arg11[%dma_start3A_94, %dma_start3A_95] : memref<10112x16xf32, #tpu.memory_space<vmem_shared>> -> memref<10112x16xf32, #tpu.memory_space<vmem_shared>>
        tpu.enqueue_indirect_dma source(%arg10 : memref<128x16xf32, #tpu.memory_space<vmem>>) target(%dma_start3A_96 : memref<10112x16xf32, #tpu.memory_space<vmem_shared>>) offsets(%dma_start3A_93 : memref<128xi32, #tpu.memory_space<vmem>>) semaphore(%run_scoped3A : memref<!tpu.dma_semaphore, #tpu.memory_space<semaphore_mem>>) {add = true}
        %dma_wait3A_97 = arith.constant 0 : i32
        %dma_wait3A_98 = tpu.memref_slice %arg8[%add3A_90, %dma_wait3A_97] : memref<92x128xi32, #tpu.memory_space<vmem>> -> memref<1x128xi32, #tpu.memory_space<vmem>>
        %dma_wait3A_99 = tpu.memref_squeeze %dma_wait3A_98 : memref<1x128xi32, #tpu.memory_space<vmem>> -> memref<128xi32, #tpu.memory_space<vmem>>
        %dma_wait3A_100 = arith.constant 0 : i32
        %dma_wait3A_101 = arith.constant 0 : i32
        %dma_wait3A_102 = tpu.memref_slice %arg11[%dma_wait3A_100, %dma_wait3A_101] : memref<10112x16xf32, #tpu.memory_space<vmem_shared>> -> memref<10112x16xf32, #tpu.memory_space<vmem_shared>>
        tpu.wait_indirect_dma semaphore(%run_scoped3A : memref<!tpu.dma_semaphore, #tpu.memory_space<semaphore_mem>>) src(%arg10 : memref<128x16xf32, #tpu.memory_space<vmem>>) dst(%dma_wait3A_102 : memref<10112x16xf32, #tpu.memory_space<vmem_shared>>)
        tpu.yield
      }) : () -> ()
    }
    %while3A_45 = arith.constant 1 : i32
    scf.for %while3A_56 = %while3A_43 to %while3A_39 step %while3A_45  : i32 {
      %mul3A_57 = arith.constant 2 : i32
      %mul3A_58 = arith.muli %mul3A_57, %while3A_56 : i32
      %add3A_59 = arith.constant 1 : i32
      %add3A_60 = arith.addi %mul3A_58, %add3A_59 : i32
      %dma_start3A_61 = arith.constant 0 : i32
      %dma_start3A_62 = tpu.memref_slice %arg7[%add3A_60, %dma_start3A_61] : memref<94x128xi32, #tpu.memory_space<vmem>> -> memref<1x128xi32, #tpu.memory_space<vmem>>
      %dma_start3A_63 = tpu.memref_squeeze %dma_start3A_62 : memref<1x128xi32, #tpu.memory_space<vmem>> -> memref<128xi32, #tpu.memory_space<vmem>>
      %dma_start3A_64 = arith.constant 0 : i32
      %dma_start3A_65 = arith.constant 0 : i32
      %dma_start3A_66 = tpu.memref_slice %arg14[%dma_start3A_64, %dma_start3A_65] : memref<80000x16xf32, #tpu.memory_space<vmem_shared>> -> memref<80000x16xf32, #tpu.memory_space<vmem_shared>>
      tpu.enqueue_indirect_dma source(%dma_start3A_66 : memref<80000x16xf32, #tpu.memory_space<vmem_shared>>) target(%arg10 : memref<128x16xf32, #tpu.memory_space<vmem>>) offsets(%dma_start3A_63 : memref<128xi32, #tpu.memory_space<vmem>>) semaphore(%arg13 : memref<!tpu.dma_semaphore, #tpu.memory_space<semaphore_mem>>)
      %dma_wait3A_67 = arith.constant 0 : i32
      %dma_wait3A_68 = tpu.memref_slice %arg7[%mul3A_58, %dma_wait3A_67] : memref<94x128xi32, #tpu.memory_space<vmem>> -> memref<1x128xi32, #tpu.memory_space<vmem>>
      %dma_wait3A_69 = tpu.memref_squeeze %dma_wait3A_68 : memref<1x128xi32, #tpu.memory_space<vmem>> -> memref<128xi32, #tpu.memory_space<vmem>>
      %dma_wait3A_70 = arith.constant 0 : i32
      %dma_wait3A_71 = arith.constant 0 : i32
      %dma_wait3A_72 = tpu.memref_slice %arg14[%dma_wait3A_70, %dma_wait3A_71] : memref<80000x16xf32, #tpu.memory_space<vmem_shared>> -> memref<80000x16xf32, #tpu.memory_space<vmem_shared>>
      tpu.wait_indirect_dma semaphore(%arg12 : memref<!tpu.dma_semaphore, #tpu.memory_space<semaphore_mem>>) src(%dma_wait3A_72 : memref<80000x16xf32, #tpu.memory_space<vmem_shared>>) dst(%arg9 : memref<128x16xf32, #tpu.memory_space<vmem>>)
      "tpu.region"() ({
        %run_scoped3A = tpu.sem_alloc : memref<!tpu.dma_semaphore, #tpu.memory_space<semaphore_mem>>
        %dma_start3A_91 = arith.constant 0 : i32
        %dma_start3A_92 = tpu.memref_slice %arg8[%mul3A_58, %dma_start3A_91] : memref<92x128xi32, #tpu.memory_space<vmem>> -> memref<1x128xi32, #tpu.memory_space<vmem>>
        %dma_start3A_93 = tpu.memref_squeeze %dma_start3A_92 : memref<1x128xi32, #tpu.memory_space<vmem>> -> memref<128xi32, #tpu.memory_space<vmem>>
        %dma_start3A_94 = arith.constant 0 : i32
        %dma_start3A_95 = arith.constant 0 : i32
        %dma_start3A_96 = tpu.memref_slice %arg11[%dma_start3A_94, %dma_start3A_95] : memref<10112x16xf32, #tpu.memory_space<vmem_shared>> -> memref<10112x16xf32, #tpu.memory_space<vmem_shared>>
        tpu.enqueue_indirect_dma source(%arg9 : memref<128x16xf32, #tpu.memory_space<vmem>>) target(%dma_start3A_96 : memref<10112x16xf32, #tpu.memory_space<vmem_shared>>) offsets(%dma_start3A_93 : memref<128xi32, #tpu.memory_space<vmem>>) semaphore(%run_scoped3A : memref<!tpu.dma_semaphore, #tpu.memory_space<semaphore_mem>>) {add = true}
        %dma_wait3A_97 = arith.constant 0 : i32
        %dma_wait3A_98 = tpu.memref_slice %arg8[%mul3A_58, %dma_wait3A_97] : memref<92x128xi32, #tpu.memory_space<vmem>> -> memref<1x128xi32, #tpu.memory_space<vmem>>
        %dma_wait3A_99 = tpu.memref_squeeze %dma_wait3A_98 : memref<1x128xi32, #tpu.memory_space<vmem>> -> memref<128xi32, #tpu.memory_space<vmem>>
        %dma_wait3A_100 = arith.constant 0 : i32
        %dma_wait3A_101 = arith.constant 0 : i32
        %dma_wait3A_102 = tpu.memref_slice %arg11[%dma_wait3A_100, %dma_wait3A_101] : memref<10112x16xf32, #tpu.memory_space<vmem_shared>> -> memref<10112x16xf32, #tpu.memory_space<vmem_shared>>
        tpu.wait_indirect_dma semaphore(%run_scoped3A : memref<!tpu.dma_semaphore, #tpu.memory_space<semaphore_mem>>) src(%arg9 : memref<128x16xf32, #tpu.memory_space<vmem>>) dst(%dma_wait3A_102 : memref<10112x16xf32, #tpu.memory_space<vmem_shared>>)
        tpu.yield
      }) : () -> ()
      %add3A_73 = arith.constant 2 : i32
      %add3A_74 = arith.addi %mul3A_58, %add3A_73 : i32
      %dma_start3A_75 = arith.constant 0 : i32
      %dma_start3A_76 = tpu.memref_slice %arg7[%add3A_74, %dma_start3A_75] : memref<94x128xi32, #tpu.memory_space<vmem>> -> memref<1x128xi32, #tpu.memory_space<vmem>>
      %dma_start3A_77 = tpu.memref_squeeze %dma_start3A_76 : memref<1x128xi32, #tpu.memory_space<vmem>> -> memref<128xi32, #tpu.memory_space<vmem>>
      %dma_start3A_78 = arith.constant 0 : i32
      %dma_start3A_79 = arith.constant 0 : i32
      %dma_start3A_80 = tpu.memref_slice %arg14[%dma_start3A_78, %dma_start3A_79] : memref<80000x16xf32, #tpu.memory_space<vmem_shared>> -> memref<80000x16xf32, #tpu.memory_space<vmem_shared>>
      tpu.enqueue_indirect_dma source(%dma_start3A_80 : memref<80000x16xf32, #tpu.memory_space<vmem_shared>>) target(%arg9 : memref<128x16xf32, #tpu.memory_space<vmem>>) offsets(%dma_start3A_77 : memref<128xi32, #tpu.memory_space<vmem>>) semaphore(%arg12 : memref<!tpu.dma_semaphore, #tpu.memory_space<semaphore_mem>>)
      %add3A_81 = arith.constant 1 : i32
      %add3A_82 = arith.addi %mul3A_58, %add3A_81 : i32
      %dma_wait3A_83 = arith.constant 0 : i32
      %dma_wait3A_84 = tpu.memref_slice %arg7[%add3A_82, %dma_wait3A_83] : memref<94x128xi32, #tpu.memory_space<vmem>> -> memref<1x128xi32, #tpu.memory_space<vmem>>
      %dma_wait3A_85 = tpu.memref_squeeze %dma_wait3A_84 : memref<1x128xi32, #tpu.memory_space<vmem>> -> memref<128xi32, #tpu.memory_space<vmem>>
      %dma_wait3A_86 = arith.constant 0 : i32
      %dma_wait3A_87 = arith.constant 0 : i32
      %dma_wait3A_88 = tpu.memref_slice %arg14[%dma_wait3A_86, %dma_wait3A_87] : memref<80000x16xf32, #tpu.memory_space<vmem_shared>> -> memref<80000x16xf32, #tpu.memory_space<vmem_shared>>
      tpu.wait_indirect_dma semaphore(%arg13 : memref<!tpu.dma_semaphore, #tpu.memory_space<semaphore_mem>>) src(%dma_wait3A_88 : memref<80000x16xf32, #tpu.memory_space<vmem_shared>>) dst(%arg10 : memref<128x16xf32, #tpu.memory_space<vmem>>)
      %add3A_89 = arith.constant 1 : i32
      %add3A_90 = arith.addi %mul3A_58, %add3A_89 : i32
      "tpu.region"() ({
        %run_scoped3A = tpu.sem_alloc : memref<!tpu.dma_semaphore, #tpu.memory_space<semaphore_mem>>
        %dma_start3A_91 = arith.constant 0 : i32
        %dma_start3A_92 = tpu.memref_slice %arg8[%add3A_90, %dma_start3A_91] : memref<92x128xi32, #tpu.memory_space<vmem>> -> memref<1x128xi32, #tpu.memory_space<vmem>>
        %dma_start3A_93 = tpu.memref_squeeze %dma_start3A_92 : memref<1x128xi32, #tpu.memory_space<vmem>> -> memref<128xi32, #tpu.memory_space<vmem>>
        %dma_start3A_94 = arith.constant 0 : i32
        %dma_start3A_95 = arith.constant 0 : i32
        %dma_start3A_96 = tpu.memref_slice %arg11[%dma_start3A_94, %dma_start3A_95] : memref<10112x16xf32, #tpu.memory_space<vmem_shared>> -> memref<10112x16xf32, #tpu.memory_space<vmem_shared>>
        tpu.enqueue_indirect_dma source(%arg10 : memref<128x16xf32, #tpu.memory_space<vmem>>) target(%dma_start3A_96 : memref<10112x16xf32, #tpu.memory_space<vmem_shared>>) offsets(%dma_start3A_93 : memref<128xi32, #tpu.memory_space<vmem>>) semaphore(%run_scoped3A : memref<!tpu.dma_semaphore, #tpu.memory_space<semaphore_mem>>) {add = true}
        %dma_wait3A_97 = arith.constant 0 : i32
        %dma_wait3A_98 = tpu.memref_slice %arg8[%add3A_90, %dma_wait3A_97] : memref<92x128xi32, #tpu.memory_space<vmem>> -> memref<1x128xi32, #tpu.memory_space<vmem>>
        %dma_wait3A_99 = tpu.memref_squeeze %dma_wait3A_98 : memref<1x128xi32, #tpu.memory_space<vmem>> -> memref<128xi32, #tpu.memory_space<vmem>>
        %dma_wait3A_100 = arith.constant 0 : i32
        %dma_wait3A_101 = arith.constant 0 : i32
        %dma_wait3A_102 = tpu.memref_slice %arg11[%dma_wait3A_100, %dma_wait3A_101] : memref<10112x16xf32, #tpu.memory_space<vmem_shared>> -> memref<10112x16xf32, #tpu.memory_space<vmem_shared>>
        tpu.wait_indirect_dma semaphore(%run_scoped3A : memref<!tpu.dma_semaphore, #tpu.memory_space<semaphore_mem>>) src(%arg10 : memref<128x16xf32, #tpu.memory_space<vmem>>) dst(%dma_wait3A_102 : memref<10112x16xf32, #tpu.memory_space<vmem_shared>>)
        tpu.yield
      }) : () -> ()
    }
    %dma_wait3A = arith.constant 0 : i32
    %dma_wait3A_46 = tpu.memref_slice %arg7[%select_n3A_5, %dma_wait3A] : memref<94x128xi32, #tpu.memory_space<vmem>> -> memref<1x128xi32, #tpu.memory_space<vmem>>
    %dma_wait3A_47 = tpu.memref_squeeze %dma_wait3A_46 : memref<1x128xi32, #tpu.memory_space<vmem>> -> memref<128xi32, #tpu.memory_space<vmem>>
    %dma_wait3A_48 = arith.constant 0 : i32
    %dma_wait3A_49 = arith.constant 0 : i32
    %dma_wait3A_50 = tpu.memref_slice %arg14[%dma_wait3A_48, %dma_wait3A_49] : memref<80000x16xf32, #tpu.memory_space<vmem_shared>> -> memref<80000x16xf32, #tpu.memory_space<vmem_shared>>
    tpu.wait_indirect_dma semaphore(%arg12 : memref<!tpu.dma_semaphore, #tpu.memory_space<semaphore_mem>>) src(%dma_wait3A_50 : memref<80000x16xf32, #tpu.memory_space<vmem_shared>>) dst(%arg9 : memref<128x16xf32, #tpu.memory_space<vmem>>)
    %barrier3A_51 = arith.constant 0 : index
    tpu.barrier barrier_id(%barrier3A_51)
    %mul3A_52 = arith.constant 632 : i32
    %mul3A_53 = arith.muli %arg1, %mul3A_52 : i32
    %mul3A_54 = arith.constant 632 : i32
    %mul3A_55 = arith.muli %arg1, %mul3A_54 : i32
    "tpu.region"() ({
      %run_scoped3A = tpu.sem_alloc : memref<!tpu.dma_semaphore, #tpu.memory_space<semaphore_mem>>
      %dma_start3A_56 = arith.constant 0 : i32
      %dma_start3A_57 = tpu.memref_slice %arg6[%arg0, %mul3A_55, %dma_start3A_56] : memref<2x10112x16xf32, #tpu.memory_space<hbm>> -> memref<1x632x16xf32, #tpu.memory_space<hbm>>
      %dma_start3A_58 = tpu.memref_squeeze %dma_start3A_57 : memref<1x632x16xf32, #tpu.memory_space<hbm>> -> memref<632x16xf32, #tpu.memory_space<hbm>>
      %dma_start3A_59 = arith.constant 0 : i32
      %dma_start3A_60 = tpu.memref_slice %arg11[%mul3A_53, %dma_start3A_59] : memref<10112x16xf32, #tpu.memory_space<vmem_shared>> -> memref<632x16xf32, #tpu.memory_space<vmem_shared>>
      tpu.enqueue_dma source(%dma_start3A_60 : memref<632x16xf32, #tpu.memory_space<vmem_shared>>) target(%dma_start3A_58 : memref<632x16xf32, #tpu.memory_space<hbm>>) target_semaphore(%run_scoped3A : memref<!tpu.dma_semaphore, #tpu.memory_space<semaphore_mem>>)
      %dma_wait3A_61 = arith.constant 0 : i32
      %dma_wait3A_62 = tpu.memref_slice %arg6[%arg0, %mul3A_55, %dma_wait3A_61] : memref<2x10112x16xf32, #tpu.memory_space<hbm>> -> memref<1x632x16xf32, #tpu.memory_space<hbm>>
      %dma_wait3A_63 = tpu.memref_squeeze %dma_wait3A_62 : memref<1x632x16xf32, #tpu.memory_space<hbm>> -> memref<632x16xf32, #tpu.memory_space<hbm>>
      %dma_wait3A_64 = arith.constant 0 : i32
      %dma_wait3A_65 = tpu.memref_slice %arg11[%mul3A_53, %dma_wait3A_64] : memref<10112x16xf32, #tpu.memory_space<vmem_shared>> -> memref<632x16xf32, #tpu.memory_space<vmem_shared>>
      tpu.wait_dma2 semaphore(%run_scoped3A : memref<!tpu.dma_semaphore, #tpu.memory_space<semaphore_mem>>) src(%dma_wait3A_65 : memref<632x16xf32, #tpu.memory_space<vmem_shared>>) dst(%dma_wait3A_63 : memref<632x16xf32, #tpu.memory_space<hbm>>)
      tpu.yield
    }) : () -> ()
    return
  }
}

module attributes {stable_mosaic.version = 14 : i64} {
  func.func @_mm1_kernel(%arg0: i32, %arg1: memref<400x128xf32, #tpu.memory_space<vmem>>, %arg2: memref<8x128x64xf32, #tpu.memory_space<vmem>>, %arg3: memref<8x8xf32, #tpu.memory_space<vmem>>, %arg4: memref<128x64xf32, #tpu.memory_space<vmem>>, %arg5: memref<4x400x128xf32, #tpu.memory_space<vmem>>, %arg6: memref<400x64xf32, #tpu.memory_space<vmem>>) attributes {dimension_semantics = [#tpu.dimension_semantics<arbitrary>], iteration_bounds = array<i64: 25>, scalar_prefetch = 0 : i64, scratch_operands = 0 : i64, tpu.core_type = #tpu.core_type<tc>, window_params = [{transform_indices = @transform_0, window_bounds = array<i64: 400, 128>}, {pipeline_mode = #tpu.pipeline_mode<synchronous>, transform_indices = @transform_1, window_bounds = array<i64: 8, 128, 64>}, {pipeline_mode = #tpu.pipeline_mode<synchronous>, transform_indices = @transform_2, window_bounds = array<i64: 8, 8>}, {pipeline_mode = #tpu.pipeline_mode<synchronous>, transform_indices = @transform_3, window_bounds = array<i64: 128, 64>}, {transform_indices = @transform_4, window_bounds = array<i64: 4, 400, 128>}, {transform_indices = @transform_5, window_bounds = array<i64: 400, 64>}]} {
    %get3A = arith.constant 0 : index
    %get3A_0 = arith.constant 0 : index
    %get3A_1 = vector.load %arg3[%get3A, %get3A_0] : memref<8x8xf32, #tpu.memory_space<vmem>>, vector<8x8xf32>
    %broadcast_in_dim3A = vector.shape_cast %get3A_1 : vector<8x8xf32> to vector<8x8x1x1xf32>
    %get3A_2 = arith.constant 0 : index
    %get3A_3 = arith.constant 0 : index
    %get3A_4 = arith.constant 0 : index
    %get3A_5 = vector.load %arg2[%get3A_2, %get3A_3, %get3A_4] : memref<8x128x64xf32, #tpu.memory_space<vmem>>, vector<8x128x64xf32>
    %broadcast_in_dim3A_6 = vector.shape_cast %get3A_5 : vector<8x128x64xf32> to vector<1x8x128x64xf32>
    %mul3A = vector.broadcast %broadcast_in_dim3A : vector<8x8x1x1xf32> to vector<8x8x128x64xf32>
    %mul3A_7 = vector.broadcast %broadcast_in_dim3A_6 : vector<1x8x128x64xf32> to vector<8x8x128x64xf32>
    %mul3A_8 = arith.mulf %mul3A, %mul3A_7 : vector<8x8x128x64xf32>
    %reduce_sum3A = arith.constant dense<0.000000e+00> : vector<8x128x64xf32>
    %reduce_sum3A_9 = vector.multi_reduction <add>, %mul3A_8, %reduce_sum3A [1] : vector<8x8x128x64xf32> to vector<8x128x64xf32>
    %get3A_10 = arith.constant 0 : index
    %get3A_11 = arith.constant 0 : index
    %get3A_12 = vector.load %arg1[%get3A_10, %get3A_11] : memref<400x128xf32, #tpu.memory_space<vmem>>, vector<400x128xf32>
    %slice3A = vector.extract_strided_slice %reduce_sum3A_9 {offsets = [0, 0, 0], sizes = [1, 128, 64], strides = [1, 1, 1]} : vector<8x128x64xf32> to vector<1x128x64xf32>
    %squeeze3A = vector.shape_cast %slice3A : vector<1x128x64xf32> to vector<128x64xf32>
    %slice3A_13 = vector.extract_strided_slice %reduce_sum3A_9 {offsets = [1, 0, 0], sizes = [1, 128, 64], strides = [1, 1, 1]} : vector<8x128x64xf32> to vector<1x128x64xf32>
    %squeeze3A_14 = vector.shape_cast %slice3A_13 : vector<1x128x64xf32> to vector<128x64xf32>
    %concatenate3A = tpu.concatenate %squeeze3A, %squeeze3A_14 in 1 : vector<128x64xf32>, vector<128x64xf32> -> vector<128x128xf32>
    %dot_general3A = arith.constant dense<0.000000e+00> : vector<400x128xf32>
    %dot_general3A_15 = tpu.matmul %get3A_12, %concatenate3A, %dot_general3A {dimension_numbers = #tpu.dot_dimension_numbers<[1], [0], [0], [1], [0, 0, 1, 1], [], []>, transpose_lhs_hint = false} : vector<400x128xf32>, vector<128x128xf32>, vector<400x128xf32> -> vector<400x128xf32>
    %swap3A = arith.constant 0 : index
    %swap3A_16 = arith.constant 0 : index
    %swap3A_17 = arith.constant 0 : index
    %swap3A_18 = vector.load %arg5[%swap3A, %swap3A_16, %swap3A_17] : memref<4x400x128xf32, #tpu.memory_space<vmem>>, vector<1x400x128xf32>
    %swap3A_19 = vector.shape_cast %swap3A_18 : vector<1x400x128xf32> to vector<400x128xf32>
    %swap3A_20 = vector.shape_cast %dot_general3A_15 : vector<400x128xf32> to vector<1x400x128xf32>
    tpu.vector_store %arg5[%swap3A, %swap3A_16, %swap3A_17], %swap3A_20 {strides = array<i32>} : memref<4x400x128xf32, #tpu.memory_space<vmem>>, vector<1x400x128xf32>,
    %slice3A_21 = vector.extract_strided_slice %reduce_sum3A_9 {offsets = [2, 0, 0], sizes = [1, 128, 64], strides = [1, 1, 1]} : vector<8x128x64xf32> to vector<1x128x64xf32>
    %squeeze3A_22 = vector.shape_cast %slice3A_21 : vector<1x128x64xf32> to vector<128x64xf32>
    %slice3A_23 = vector.extract_strided_slice %reduce_sum3A_9 {offsets = [3, 0, 0], sizes = [1, 128, 64], strides = [1, 1, 1]} : vector<8x128x64xf32> to vector<1x128x64xf32>
    %squeeze3A_24 = vector.shape_cast %slice3A_23 : vector<1x128x64xf32> to vector<128x64xf32>
    %concatenate3A_25 = tpu.concatenate %squeeze3A_22, %squeeze3A_24 in 1 : vector<128x64xf32>, vector<128x64xf32> -> vector<128x128xf32>
    %dot_general3A_26 = arith.constant dense<0.000000e+00> : vector<400x128xf32>
    %dot_general3A_27 = tpu.matmul %get3A_12, %concatenate3A_25, %dot_general3A_26 {dimension_numbers = #tpu.dot_dimension_numbers<[1], [0], [0], [1], [0, 0, 1, 1], [], []>, transpose_lhs_hint = false} : vector<400x128xf32>, vector<128x128xf32>, vector<400x128xf32> -> vector<400x128xf32>
    %swap3A_28 = arith.constant 1 : index
    %swap3A_29 = arith.constant 0 : index
    %swap3A_30 = arith.constant 0 : index
    %swap3A_31 = vector.load %arg5[%swap3A_28, %swap3A_29, %swap3A_30] : memref<4x400x128xf32, #tpu.memory_space<vmem>>, vector<1x400x128xf32>
    %swap3A_32 = vector.shape_cast %swap3A_31 : vector<1x400x128xf32> to vector<400x128xf32>
    %swap3A_33 = vector.shape_cast %dot_general3A_27 : vector<400x128xf32> to vector<1x400x128xf32>
    tpu.vector_store %arg5[%swap3A_28, %swap3A_29, %swap3A_30], %swap3A_33 {strides = array<i32>} : memref<4x400x128xf32, #tpu.memory_space<vmem>>, vector<1x400x128xf32>,
    %slice3A_34 = vector.extract_strided_slice %reduce_sum3A_9 {offsets = [4, 0, 0], sizes = [1, 128, 64], strides = [1, 1, 1]} : vector<8x128x64xf32> to vector<1x128x64xf32>
    %squeeze3A_35 = vector.shape_cast %slice3A_34 : vector<1x128x64xf32> to vector<128x64xf32>
    %slice3A_36 = vector.extract_strided_slice %reduce_sum3A_9 {offsets = [5, 0, 0], sizes = [1, 128, 64], strides = [1, 1, 1]} : vector<8x128x64xf32> to vector<1x128x64xf32>
    %squeeze3A_37 = vector.shape_cast %slice3A_36 : vector<1x128x64xf32> to vector<128x64xf32>
    %concatenate3A_38 = tpu.concatenate %squeeze3A_35, %squeeze3A_37 in 1 : vector<128x64xf32>, vector<128x64xf32> -> vector<128x128xf32>
    %dot_general3A_39 = arith.constant dense<0.000000e+00> : vector<400x128xf32>
    %dot_general3A_40 = tpu.matmul %get3A_12, %concatenate3A_38, %dot_general3A_39 {dimension_numbers = #tpu.dot_dimension_numbers<[1], [0], [0], [1], [0, 0, 1, 1], [], []>, transpose_lhs_hint = false} : vector<400x128xf32>, vector<128x128xf32>, vector<400x128xf32> -> vector<400x128xf32>
    %swap3A_41 = arith.constant 2 : index
    %swap3A_42 = arith.constant 0 : index
    %swap3A_43 = arith.constant 0 : index
    %swap3A_44 = vector.load %arg5[%swap3A_41, %swap3A_42, %swap3A_43] : memref<4x400x128xf32, #tpu.memory_space<vmem>>, vector<1x400x128xf32>
    %swap3A_45 = vector.shape_cast %swap3A_44 : vector<1x400x128xf32> to vector<400x128xf32>
    %swap3A_46 = vector.shape_cast %dot_general3A_40 : vector<400x128xf32> to vector<1x400x128xf32>
    tpu.vector_store %arg5[%swap3A_41, %swap3A_42, %swap3A_43], %swap3A_46 {strides = array<i32>} : memref<4x400x128xf32, #tpu.memory_space<vmem>>, vector<1x400x128xf32>,
    %slice3A_47 = vector.extract_strided_slice %reduce_sum3A_9 {offsets = [6, 0, 0], sizes = [1, 128, 64], strides = [1, 1, 1]} : vector<8x128x64xf32> to vector<1x128x64xf32>
    %squeeze3A_48 = vector.shape_cast %slice3A_47 : vector<1x128x64xf32> to vector<128x64xf32>
    %slice3A_49 = vector.extract_strided_slice %reduce_sum3A_9 {offsets = [7, 0, 0], sizes = [1, 128, 64], strides = [1, 1, 1]} : vector<8x128x64xf32> to vector<1x128x64xf32>
    %squeeze3A_50 = vector.shape_cast %slice3A_49 : vector<1x128x64xf32> to vector<128x64xf32>
    %concatenate3A_51 = tpu.concatenate %squeeze3A_48, %squeeze3A_50 in 1 : vector<128x64xf32>, vector<128x64xf32> -> vector<128x128xf32>
    %dot_general3A_52 = arith.constant dense<0.000000e+00> : vector<400x128xf32>
    %dot_general3A_53 = tpu.matmul %get3A_12, %concatenate3A_51, %dot_general3A_52 {dimension_numbers = #tpu.dot_dimension_numbers<[1], [0], [0], [1], [0, 0, 1, 1], [], []>, transpose_lhs_hint = false} : vector<400x128xf32>, vector<128x128xf32>, vector<400x128xf32> -> vector<400x128xf32>
    %swap3A_54 = arith.constant 3 : index
    %swap3A_55 = arith.constant 0 : index
    %swap3A_56 = arith.constant 0 : index
    %swap3A_57 = vector.load %arg5[%swap3A_54, %swap3A_55, %swap3A_56] : memref<4x400x128xf32, #tpu.memory_space<vmem>>, vector<1x400x128xf32>
    %swap3A_58 = vector.shape_cast %swap3A_57 : vector<1x400x128xf32> to vector<400x128xf32>
    %swap3A_59 = vector.shape_cast %dot_general3A_53 : vector<400x128xf32> to vector<1x400x128xf32>
    tpu.vector_store %arg5[%swap3A_54, %swap3A_55, %swap3A_56], %swap3A_59 {strides = array<i32>} : memref<4x400x128xf32, #tpu.memory_space<vmem>>, vector<1x400x128xf32>,
    %get3A_60 = arith.constant 0 : index
    %get3A_61 = arith.constant 0 : index
    %get3A_62 = vector.load %arg4[%get3A_60, %get3A_61] : memref<128x64xf32, #tpu.memory_space<vmem>>, vector<128x64xf32>
    %dot_general3A_63 = arith.constant dense<0.000000e+00> : vector<400x64xf32>
    %dot_general3A_64 = tpu.matmul %get3A_12, %get3A_62, %dot_general3A_63 {dimension_numbers = #tpu.dot_dimension_numbers<[1], [0], [0], [1], [0, 0, 1, 1], [], []>, transpose_lhs_hint = false} : vector<400x128xf32>, vector<128x64xf32>, vector<400x64xf32> -> vector<400x64xf32>
    %swap3A_65 = arith.constant 0 : index
    %swap3A_66 = arith.constant 0 : index
    %swap3A_67 = vector.load %arg6[%swap3A_65, %swap3A_66] : memref<400x64xf32, #tpu.memory_space<vmem>>, vector<400x64xf32>
    tpu.vector_store %arg6[%swap3A_65, %swap3A_66], %dot_general3A_64 {strides = array<i32>} : memref<400x64xf32, #tpu.memory_space<vmem>>, vector<400x64xf32>,
    return
  }
  func.func @transform_0(%arg0: i32) -> (i32, i32) {
    %c0_i32 = arith.constant 0 : i32
    %c0_i32_0 = arith.constant 0 : i32
    return %arg0, %c0_i32 : i32, i32
  }
  func.func @transform_1(%arg0: i32) -> (i32, i32, i32) {
    %c0_i32 = arith.constant 0 : i32
    %c0_i32_0 = arith.constant 0 : i32
    %c0_i32_1 = arith.constant 0 : i32
    %c0_i32_2 = arith.constant 0 : i32
    return %c0_i32, %c0_i32_0, %c0_i32_1 : i32, i32, i32
  }
  func.func @transform_2(%arg0: i32) -> (i32, i32) {
    %c0_i32 = arith.constant 0 : i32
    %c0_i32_0 = arith.constant 0 : i32
    %c0_i32_1 = arith.constant 0 : i32
    return %c0_i32, %c0_i32_0 : i32, i32
  }
  func.func @transform_3(%arg0: i32) -> (i32, i32) {
    %c0_i32 = arith.constant 0 : i32
    %c0_i32_0 = arith.constant 0 : i32
    %c0_i32_1 = arith.constant 0 : i32
    return %c0_i32, %c0_i32_0 : i32, i32
  }
  func.func @transform_4(%arg0: i32) -> (i32, i32, i32) {
    %c0_i32 = arith.constant 0 : i32
    %c0_i32_0 = arith.constant 0 : i32
    %c0_i32_1 = arith.constant 0 : i32
    return %c0_i32, %arg0, %c0_i32_0 : i32, i32, i32
  }
  func.func @transform_5(%arg0: i32) -> (i32, i32) {
    %c0_i32 = arith.constant 0 : i32
    %c0_i32_0 = arith.constant 0 : i32
    return %arg0, %c0_i32 : i32, i32
  }
}

module attributes {stable_mosaic.version = 14 : i64} {
  func.func @_mm2_kernel(%arg0: i32, %arg1: memref<2x400x64xf32, #tpu.memory_space<vmem>>, %arg2: memref<400x64xf32, #tpu.memory_space<vmem>>, %arg3: memref<1x64xf32, #tpu.memory_space<vmem>>, %arg4: memref<8x64x16xf32, #tpu.memory_space<vmem>>, %arg5: memref<8x8xf32, #tpu.memory_space<vmem>>, %arg6: memref<64x16xf32, #tpu.memory_space<vmem>>, %arg7: memref<400x128xf32, #tpu.memory_space<vmem>>, %arg8: memref<400x16xf32, #tpu.memory_space<vmem>>) attributes {dimension_semantics = [#tpu.dimension_semantics<arbitrary>], iteration_bounds = array<i64: 25>, scalar_prefetch = 0 : i64, scratch_operands = 0 : i64, tpu.core_type = #tpu.core_type<tc>, window_params = [{transform_indices = @transform_0, window_bounds = array<i64: 2, 400, 64>}, {transform_indices = @transform_1, window_bounds = array<i64: 400, 64>}, {pipeline_mode = #tpu.pipeline_mode<synchronous>, transform_indices = @transform_2, window_bounds = array<i64: 1, 64>}, {pipeline_mode = #tpu.pipeline_mode<synchronous>, transform_indices = @transform_3, window_bounds = array<i64: 8, 64, 16>}, {pipeline_mode = #tpu.pipeline_mode<synchronous>, transform_indices = @transform_4, window_bounds = array<i64: 8, 8>}, {pipeline_mode = #tpu.pipeline_mode<synchronous>, transform_indices = @transform_5, window_bounds = array<i64: 64, 16>}, {transform_indices = @transform_6, window_bounds = array<i64: 400, 128>}, {transform_indices = @transform_7, window_bounds = array<i64: 400, 16>}]} {
    %get3A = arith.constant 0 : index
    %get3A_0 = arith.constant 0 : index
    %get3A_1 = arith.constant 0 : index
    %get3A_2 = vector.load %arg1[%get3A, %get3A_0, %get3A_1] : memref<2x400x64xf32, #tpu.memory_space<vmem>>, vector<1x400x64xf32>
    %get3A_3 = vector.shape_cast %get3A_2 : vector<1x400x64xf32> to vector<400x64xf32>
    %get3A_4 = arith.constant 1 : index
    %get3A_5 = arith.constant 0 : index
    %get3A_6 = arith.constant 0 : index
    %get3A_7 = vector.load %arg1[%get3A_4, %get3A_5, %get3A_6] : memref<2x400x64xf32, #tpu.memory_space<vmem>>, vector<1x400x64xf32>
    %get3A_8 = vector.shape_cast %get3A_7 : vector<1x400x64xf32> to vector<400x64xf32>
    %add3A = arith.addf %get3A_3, %get3A_8 : vector<400x64xf32>
    %get3A_9 = arith.constant 0 : index
    %get3A_10 = arith.constant 0 : index
    %get3A_11 = vector.load %arg2[%get3A_9, %get3A_10] : memref<400x64xf32, #tpu.memory_space<vmem>>, vector<400x64xf32>
    %add3A_12 = arith.addf %add3A, %get3A_11 : vector<400x64xf32>
    %get3A_13 = arith.constant 0 : index
    %get3A_14 = arith.constant 0 : index
    %get3A_15 = vector.load %arg3[%get3A_13, %get3A_14] : memref<1x64xf32, #tpu.memory_space<vmem>>, vector<1x64xf32>
    %add3A_16 = vector.broadcast %get3A_15 : vector<1x64xf32> to vector<400x64xf32>
    %add3A_17 = arith.addf %add3A_12, %add3A_16 : vector<400x64xf32>
    %max3A = arith.constant 0.000000e+00 : f32
    %max3A_18 = vector.broadcast %max3A : f32 to vector<400x64xf32>
    %max3A_19 = arith.maximumf %add3A_17, %max3A_18 : vector<400x64xf32>
    %get3A_20 = arith.constant 0 : index
    %get3A_21 = arith.constant 0 : index
    %get3A_22 = vector.load %arg5[%get3A_20, %get3A_21] : memref<8x8xf32, #tpu.memory_space<vmem>>, vector<8x8xf32>
    %broadcast_in_dim3A = vector.shape_cast %get3A_22 : vector<8x8xf32> to vector<8x8x1x1xf32>
    %get3A_23 = arith.constant 0 : index
    %get3A_24 = arith.constant 0 : index
    %get3A_25 = arith.constant 0 : index
    %get3A_26 = vector.load %arg4[%get3A_23, %get3A_24, %get3A_25] : memref<8x64x16xf32, #tpu.memory_space<vmem>>, vector<8x64x16xf32>
    %broadcast_in_dim3A_27 = vector.shape_cast %get3A_26 : vector<8x64x16xf32> to vector<1x8x64x16xf32>
    %mul3A = vector.broadcast %broadcast_in_dim3A : vector<8x8x1x1xf32> to vector<8x8x64x16xf32>
    %mul3A_28 = vector.broadcast %broadcast_in_dim3A_27 : vector<1x8x64x16xf32> to vector<8x8x64x16xf32>
    %mul3A_29 = arith.mulf %mul3A, %mul3A_28 : vector<8x8x64x16xf32>
    %reduce_sum3A = arith.constant dense<0.000000e+00> : vector<8x64x16xf32>
    %reduce_sum3A_30 = vector.multi_reduction <add>, %mul3A_29, %reduce_sum3A [1] : vector<8x8x64x16xf32> to vector<8x64x16xf32>
    %slice3A = vector.extract_strided_slice %reduce_sum3A_30 {offsets = [0, 0, 0], sizes = [1, 64, 16], strides = [1, 1, 1]} : vector<8x64x16xf32> to vector<1x64x16xf32>
    %squeeze3A = vector.shape_cast %slice3A : vector<1x64x16xf32> to vector<64x16xf32>
    %slice3A_31 = vector.extract_strided_slice %reduce_sum3A_30 {offsets = [1, 0, 0], sizes = [1, 64, 16], strides = [1, 1, 1]} : vector<8x64x16xf32> to vector<1x64x16xf32>
    %squeeze3A_32 = vector.shape_cast %slice3A_31 : vector<1x64x16xf32> to vector<64x16xf32>
    %slice3A_33 = vector.extract_strided_slice %reduce_sum3A_30 {offsets = [2, 0, 0], sizes = [1, 64, 16], strides = [1, 1, 1]} : vector<8x64x16xf32> to vector<1x64x16xf32>
    %squeeze3A_34 = vector.shape_cast %slice3A_33 : vector<1x64x16xf32> to vector<64x16xf32>
    %slice3A_35 = vector.extract_strided_slice %reduce_sum3A_30 {offsets = [3, 0, 0], sizes = [1, 64, 16], strides = [1, 1, 1]} : vector<8x64x16xf32> to vector<1x64x16xf32>
    %squeeze3A_36 = vector.shape_cast %slice3A_35 : vector<1x64x16xf32> to vector<64x16xf32>
    %slice3A_37 = vector.extract_strided_slice %reduce_sum3A_30 {offsets = [4, 0, 0], sizes = [1, 64, 16], strides = [1, 1, 1]} : vector<8x64x16xf32> to vector<1x64x16xf32>
    %squeeze3A_38 = vector.shape_cast %slice3A_37 : vector<1x64x16xf32> to vector<64x16xf32>
    %slice3A_39 = vector.extract_strided_slice %reduce_sum3A_30 {offsets = [5, 0, 0], sizes = [1, 64, 16], strides = [1, 1, 1]} : vector<8x64x16xf32> to vector<1x64x16xf32>
    %squeeze3A_40 = vector.shape_cast %slice3A_39 : vector<1x64x16xf32> to vector<64x16xf32>
    %slice3A_41 = vector.extract_strided_slice %reduce_sum3A_30 {offsets = [6, 0, 0], sizes = [1, 64, 16], strides = [1, 1, 1]} : vector<8x64x16xf32> to vector<1x64x16xf32>
    %squeeze3A_42 = vector.shape_cast %slice3A_41 : vector<1x64x16xf32> to vector<64x16xf32>
    %slice3A_43 = vector.extract_strided_slice %reduce_sum3A_30 {offsets = [7, 0, 0], sizes = [1, 64, 16], strides = [1, 1, 1]} : vector<8x64x16xf32> to vector<1x64x16xf32>
    %squeeze3A_44 = vector.shape_cast %slice3A_43 : vector<1x64x16xf32> to vector<64x16xf32>
    %concatenate3A = tpu.concatenate %squeeze3A, %squeeze3A_32, %squeeze3A_34, %squeeze3A_36, %squeeze3A_38, %squeeze3A_40, %squeeze3A_42, %squeeze3A_44 in 1 : vector<64x16xf32>, vector<64x16xf32>, vector<64x16xf32>, vector<64x16xf32>, vector<64x16xf32>, vector<64x16xf32>, vector<64x16xf32>, vector<64x16xf32> -> vector<64x128xf32>
    %dot_general3A = arith.constant dense<0.000000e+00> : vector<400x128xf32>
    %dot_general3A_45 = tpu.matmul %max3A_19, %concatenate3A, %dot_general3A {dimension_numbers = #tpu.dot_dimension_numbers<[1], [0], [0], [1], [0, 0, 1, 1], [], []>, transpose_lhs_hint = false} : vector<400x64xf32>, vector<64x128xf32>, vector<400x128xf32> -> vector<400x128xf32>
    %swap3A = arith.constant 0 : index
    %swap3A_46 = arith.constant 0 : index
    %swap3A_47 = vector.load %arg7[%swap3A, %swap3A_46] : memref<400x128xf32, #tpu.memory_space<vmem>>, vector<400x128xf32>
    tpu.vector_store %arg7[%swap3A, %swap3A_46], %dot_general3A_45 {strides = array<i32>} : memref<400x128xf32, #tpu.memory_space<vmem>>, vector<400x128xf32>,
    %get3A_48 = arith.constant 0 : index
    %get3A_49 = arith.constant 0 : index
    %get3A_50 = vector.load %arg6[%get3A_48, %get3A_49] : memref<64x16xf32, #tpu.memory_space<vmem>>, vector<64x16xf32>
    %dot_general3A_51 = arith.constant dense<0.000000e+00> : vector<400x16xf32>
    %dot_general3A_52 = tpu.matmul %max3A_19, %get3A_50, %dot_general3A_51 {dimension_numbers = #tpu.dot_dimension_numbers<[1], [0], [0], [1], [0, 0, 1, 1], [], []>, transpose_lhs_hint = false} : vector<400x64xf32>, vector<64x16xf32>, vector<400x16xf32> -> vector<400x16xf32>
    %swap3A_53 = arith.constant 0 : index
    %swap3A_54 = arith.constant 0 : index
    %swap3A_55 = vector.load %arg8[%swap3A_53, %swap3A_54] : memref<400x16xf32, #tpu.memory_space<vmem>>, vector<400x16xf32>
    tpu.vector_store %arg8[%swap3A_53, %swap3A_54], %dot_general3A_52 {strides = array<i32>} : memref<400x16xf32, #tpu.memory_space<vmem>>, vector<400x16xf32>,
    return
  }
  func.func @transform_0(%arg0: i32) -> (i32, i32, i32) {
    %c0_i32 = arith.constant 0 : i32
    %c0_i32_0 = arith.constant 0 : i32
    %c0_i32_1 = arith.constant 0 : i32
    return %c0_i32, %arg0, %c0_i32_0 : i32, i32, i32
  }
  func.func @transform_1(%arg0: i32) -> (i32, i32) {
    %c0_i32 = arith.constant 0 : i32
    %c0_i32_0 = arith.constant 0 : i32
    return %arg0, %c0_i32 : i32, i32
  }
  func.func @transform_2(%arg0: i32) -> (i32, i32) {
    %c0_i32 = arith.constant 0 : i32
    %c0_i32_0 = arith.constant 0 : i32
    %c0_i32_1 = arith.constant 0 : i32
    return %c0_i32, %c0_i32_0 : i32, i32
  }
  func.func @transform_3(%arg0: i32) -> (i32, i32, i32) {
    %c0_i32 = arith.constant 0 : i32
    %c0_i32_0 = arith.constant 0 : i32
    %c0_i32_1 = arith.constant 0 : i32
    %c0_i32_2 = arith.constant 0 : i32
    return %c0_i32, %c0_i32_0, %c0_i32_1 : i32, i32, i32
  }
  func.func @transform_4(%arg0: i32) -> (i32, i32) {
    %c0_i32 = arith.constant 0 : i32
    %c0_i32_0 = arith.constant 0 : i32
    %c0_i32_1 = arith.constant 0 : i32
    return %c0_i32, %c0_i32_0 : i32, i32
  }
  func.func @transform_5(%arg0: i32) -> (i32, i32) {
    %c0_i32 = arith.constant 0 : i32
    %c0_i32_0 = arith.constant 0 : i32
    %c0_i32_1 = arith.constant 0 : i32
    return %c0_i32, %c0_i32_0 : i32, i32
  }
  func.func @transform_6(%arg0: i32) -> (i32, i32) {
    %c0_i32 = arith.constant 0 : i32
    %c0_i32_0 = arith.constant 0 : i32
    return %arg0, %c0_i32 : i32, i32
  }
  func.func @transform_7(%arg0: i32) -> (i32, i32) {
    %c0_i32 = arith.constant 0 : i32
    %c0_i32_0 = arith.constant 0 : i32
    return %arg0, %c0_i32 : i32, i32
  }
}

module attributes {stable_mosaic.version = 14 : i64} {
  func.func @_final_kernel(%arg0: i32, %arg1: memref<2x400x16xf32, #tpu.memory_space<vmem>>, %arg2: memref<400x16xf32, #tpu.memory_space<vmem>>, %arg3: memref<1x16xf32, #tpu.memory_space<vmem>>, %arg4: memref<1x16xf32, #tpu.memory_space<vmem>>) attributes {dimension_semantics = [#tpu.dimension_semantics<arbitrary>], iteration_bounds = array<i64: 25>, scalar_prefetch = 0 : i64, scratch_operands = 0 : i64, tpu.core_type = #tpu.core_type<tc>, window_params = [{transform_indices = @transform_0, window_bounds = array<i64: 2, 400, 16>}, {transform_indices = @transform_1, window_bounds = array<i64: 400, 16>}, {pipeline_mode = #tpu.pipeline_mode<synchronous>, transform_indices = @transform_2, window_bounds = array<i64: 1, 16>}, {pipeline_mode = #tpu.pipeline_mode<synchronous>, transform_indices = @transform_3, window_bounds = array<i64: 1, 16>}]} {
    %eq3A = arith.constant 0 : i32
    %eq3A_0 = arith.cmpi eq, %arg0, %eq3A : i32
    %convert_element_type3A = arith.extui %eq3A_0 : i1 to i32
    %cond3A = arith.constant 0 : i32
    %cond3A_1 = arith.cmpi ne, %convert_element_type3A, %cond3A : i32
    scf.if %cond3A_1 {
      %broadcast_in_dim3A_31 = arith.constant 0.000000e+00 : f32
      %broadcast_in_dim3A_32 = vector.broadcast %broadcast_in_dim3A_31 : f32 to vector<1x16xf32>
      %swap3A_33 = arith.constant 0 : index
      %swap3A_34 = arith.constant 0 : index
      %swap3A_35 = vector.load %arg4[%swap3A_33, %swap3A_34] : memref<1x16xf32, #tpu.memory_space<vmem>>, vector<1x16xf32>
      tpu.vector_store %arg4[%swap3A_33, %swap3A_34], %broadcast_in_dim3A_32 {strides = array<i32>} : memref<1x16xf32, #tpu.memory_space<vmem>>, vector<1x16xf32>,
    } else {
    }
    %get3A = arith.constant 0 : index
    %get3A_2 = arith.constant 0 : index
    %get3A_3 = arith.constant 0 : index
    %get3A_4 = vector.load %arg1[%get3A, %get3A_2, %get3A_3] : memref<2x400x16xf32, #tpu.memory_space<vmem>>, vector<1x400x16xf32>
    %get3A_5 = vector.shape_cast %get3A_4 : vector<1x400x16xf32> to vector<400x16xf32>
    %get3A_6 = arith.constant 1 : index
    %get3A_7 = arith.constant 0 : index
    %get3A_8 = arith.constant 0 : index
    %get3A_9 = vector.load %arg1[%get3A_6, %get3A_7, %get3A_8] : memref<2x400x16xf32, #tpu.memory_space<vmem>>, vector<1x400x16xf32>
    %get3A_10 = vector.shape_cast %get3A_9 : vector<1x400x16xf32> to vector<400x16xf32>
    %add3A = arith.addf %get3A_5, %get3A_10 : vector<400x16xf32>
    %get3A_11 = arith.constant 0 : index
    %get3A_12 = arith.constant 0 : index
    %get3A_13 = vector.load %arg2[%get3A_11, %get3A_12] : memref<400x16xf32, #tpu.memory_space<vmem>>, vector<400x16xf32>
    %add3A_14 = arith.addf %add3A, %get3A_13 : vector<400x16xf32>
    %get3A_15 = arith.constant 0 : index
    %get3A_16 = arith.constant 0 : index
    %get3A_17 = vector.load %arg3[%get3A_15, %get3A_16] : memref<1x16xf32, #tpu.memory_space<vmem>>, vector<1x16xf32>
    %add3A_18 = vector.broadcast %get3A_17 : vector<1x16xf32> to vector<400x16xf32>
    %add3A_19 = arith.addf %add3A_14, %add3A_18 : vector<400x16xf32>
    %max3A = arith.constant 0.000000e+00 : f32
    %max3A_20 = vector.broadcast %max3A : f32 to vector<400x16xf32>
    %max3A_21 = arith.maximumf %add3A_19, %max3A_20 : vector<400x16xf32>
    %get3A_22 = arith.constant 0 : index
    %get3A_23 = arith.constant 0 : index
    %get3A_24 = vector.load %arg4[%get3A_22, %get3A_23] : memref<1x16xf32, #tpu.memory_space<vmem>>, vector<1x16xf32>
    %reduce_sum3A = arith.constant dense<0.000000e+00> : vector<16xf32>
    %reduce_sum3A_25 = vector.multi_reduction <add>, %max3A_21, %reduce_sum3A [0] : vector<400x16xf32> to vector<16xf32>
    %broadcast_in_dim3A = vector.shape_cast %reduce_sum3A_25 : vector<16xf32> to vector<1x16xf32>
    %mul3A = arith.constant 9.99999974E-5 : f32
    %mul3A_26 = vector.broadcast %mul3A : f32 to vector<1x16xf32>
    %mul3A_27 = arith.mulf %broadcast_in_dim3A, %mul3A_26 : vector<1x16xf32>
    %add3A_28 = arith.addf %get3A_24, %mul3A_27 : vector<1x16xf32>
    %swap3A = arith.constant 0 : index
    %swap3A_29 = arith.constant 0 : index
    %swap3A_30 = vector.load %arg4[%swap3A, %swap3A_29] : memref<1x16xf32, #tpu.memory_space<vmem>>, vector<1x16xf32>
    tpu.vector_store %arg4[%swap3A, %swap3A_29], %add3A_28 {strides = array<i32>} : memref<1x16xf32, #tpu.memory_space<vmem>>, vector<1x16xf32>,
    return
  }
  func.func @transform_0(%arg0: i32) -> (i32, i32, i32) {
    %c0_i32 = arith.constant 0 : i32
    %c0_i32_0 = arith.constant 0 : i32
    %c0_i32_1 = arith.constant 0 : i32
    return %c0_i32, %arg0, %c0_i32_0 : i32, i32, i32
  }
  func.func @transform_1(%arg0: i32) -> (i32, i32) {
    %c0_i32 = arith.constant 0 : i32
    %c0_i32_0 = arith.constant 0 : i32
    return %arg0, %c0_i32 : i32, i32
  }
  func.func @transform_2(%arg0: i32) -> (i32, i32) {
    %c0_i32 = arith.constant 0 : i32
    %c0_i32_0 = arith.constant 0 : i32
    %c0_i32_1 = arith.constant 0 : i32
    return %c0_i32, %c0_i32_0 : i32, i32
  }
  func.func @transform_3(%arg0: i32) -> (i32, i32) {
    %c0_i32 = arith.constant 0 : i32
    %c0_i32_0 = arith.constant 0 : i32
    %c0_i32_1 = arith.constant 0 : i32
    return %c0_i32, %c0_i32_0 : i32, i32
  }
}

</mosaic_0001>

<sc_bundles>
// kernel: kernel.10.cloned.1.call-start
scs
__scs_entry_jumppad:
0x0: {  	(pc) =	sbr.rel $0x88, $3  }
0x1: {  	(tag) =	ssettag $0x0;
	lr =	simm.s32 $0x1  }
0x2: {  	[smem:$0x3F96] =	sst lr;
	_ =	strace $0xD0000000  }
0x3: {  	_ = 	snop  }
0x4: {  	_ = 	snop  }
0x5: {  	_ = 	snop  }
0x6: {  	_ = 	snop  }
0x7: {  	_ = 	snop  }
__scs_overlays_trampoline_lowered:
0x8: {  	[smem:$0x3FA5] =	sst s0  }
0x9: {  	[smem:$0x3FA6] =	sst s1  }
0xa: {  	[smem:$0x3FA7] =	sst s2  }
0xb: {  	[smem:$0x3FA8] =	sst s3  }
0xc: {  	[smem:$0x3FA9] =	sst s4  }
0xd: {  	[smem:$0x3FAA] =	sst s5  }
0xe: {  	[smem:$0x3FAB] =	sst s6  }
0xf: {  	[smem:$0x3FAC] =	sst s7  }
0x10: {  	[smem:$0x3FAD] =	sst s8  }
0x11: {  	[smem:$0x3FAE] =	sst s9;
	s0 =	simm.s32 @!p0 $0x0  }
0x12: {  	s1 =	sld [smem:$0x3F94];
	s0 =	simm.s32 @p0 $0x1  }
0x13: {  	[smem:$0x3FAF] =	sst s0;
	s0 =	simm.s32 @!p1 $0x0  }
0x14: {  	s2 =	sld [smem:$0x3F93];
	s0 =	simm.s32 @p1 $0x1  }
0x15: {  	[smem:$0x3FB0] =	sst s0;
	s0 =	simm.s32 @!p2 $0x0  }
0x16: {  	s3 =	sld [smem:$0x3FDB];
	s0 =	simm.s32 @p2 $0x1  }
0x17: {  	s4 =	simm.s32 $0x1BF5;
	[smem:$0x3FB2] =	sst s0  }
0x18: {  	s0 =	sld [smem:$0x3F95];
	_ =	swait.ge [sflag:s4], $0x0  }
0x19: {  	s7 =	sld [smem:$0x3F96]  }
0x1a: {  	s8 =	sadd.s32 $0xFFFFE003, lr  }
0x1b: {  	s9 =	sadd.s32 $0xFFFFFEF7, lr;
	s5 =	simm.s32 $0xFFFFFFFF;
	p2 =	slt.u32 s8, $0xFFFFF086  }
0x1c: {  	p1 =	slt.u32 s9, $0xF7A;
	s5 =	simm.s32 @!p2 $0x0  }
0x1d: {  	s5 =	simm.s32 @p1 $0x1;
	p0 =	seq.s32 s7, s2  }
0x1e: {  	s7 =	smul.u32 @!p0 $0xF7A, s2;
	p2 =	seq.s32 @!p0 s5, $0x0  }
0x1f: {  	s9 =	smul.u32 $0xF7A, s1;
	s8 =	simm.s32 @!p0 $0x1BF5;
	p2 =	por !p2, p0  }
0x20: {  	[sflag:s8] =	ssyncset.s32 @!p0 $0xFFFFF086;
	s6 =	sadd.s32 @!p0 s3, s7;
	s7 =	simm.s32 @!p0 $0x108  }
0x21: {  	s3 =	sadd.s32 s3, s9;
	s6 =	sadd.s32 @!p0 $0x88, s6;
	s7 =	simm.s32 @p2 $0x1082  }
0x22: {  	[simem:s7], [sflag:s8] =	dma.local @!p0 [hbm:s6], $0xF7A  }
0x23: {  	s9 =	sor.u32 $0xD0000000, s2;
	s6 =	simm.s32 $0x108;
	_ =	swait.ge @!p0 [sflag:s8], $0x0  }
0x24: {  	s3 =	sadd.s32 $0x88, s3;
	s6 =	simm.s32 @!p1 $0x1082;
	[sflag:s4] =	ssyncset.s32 $0xFFFFF086  }
0x25: {  	[simem:s6], [sflag:s4] =	dma.local [hbm:s3], $0xF7A  }
0x26: {  	[smem:$0x3F96] =	sst s1;
	(tag) =	ssettag s2;
	_ =	strace s9  }
0x27: {  	s1 =	sld [smem:$0x3FA6]  }
0x28: {  	s2 =	sld [smem:$0x3FA7]  }
0x29: {  	s4 =	sld [smem:$0x3FA9]  }
0x2a: {  	p0 =	seq.s32 s5, $0x0;
	s5 =	sld [smem:$0x3FAA]  }
0x2b: {  	s6 =	sld [smem:$0x3FAB]  }
0x2c: {  	s7 =	sld [smem:$0x3FAC]  }
0x2d: {  	s3 =	simm.s32 $0x108;
	s8 =	sld [smem:$0x3FAD]  }
0x2e: {  	s3 =	simm.s32 @!p0 $0x1082;
	s9 =	sld [smem:$0x3FAE]  }
0x2f: {  	lr =	sadd.s32 s0, s3;
	s0 =	sld [smem:$0x3FA5]  }
0x30: {  	s3 =	sld [smem:$0x3FA8]  }
0x31: {  	[smem:$0x3FB1] =	sst s10  }
0x32: {  	s10 =	sld [smem:$0x3FAF];
	_ =	sdelay $0x3  }
0x33: {  	p0 =	seq.s32 s10, $0x1;
	s10 =	sld [smem:$0x3FB1];
	_ =	sdelay $0x3  }
0x34: {  	[smem:$0x3FB1] =	sst s10  }
0x35: {  	s10 =	sld [smem:$0x3FB0];
	_ =	sdelay $0x3  }
0x36: {  	p1 =	seq.s32 s10, $0x1;
	s10 =	sld [smem:$0x3FB1];
	_ =	sdelay $0x3  }
0x37: {  	[smem:$0x3FB1] =	sst s10  }
0x38: {  	s10 =	sld [smem:$0x3FB2]  }
0x39: {  	_ = 	snop;
	(pc) =	sbr.ind lr, $3  }
0x3a: {  	_ = 	snop  }
0x3b: {  	_ = 	snop  }
0x3c: {  	p2 =	seq.s32 s10, $0x1;
	s10 =	sld [smem:$0x3FB1]  }
0x3d: {  	_ =	shalt  }
0x3e: {  	_ =	shalt  }
0x3f: {  	_ =	shalt  }
0x40: {  	_ =	shalt  }
0x41: {  	_ =	shalt  }
0x42: {  	_ =	shalt  }
0x43: {  	_ =	shalt  }
0x44: {  	_ =	shalt  }
0x45: {  	_ =	shalt  }
0x46: {  	_ =	shalt  }
0x47: {  	_ =	shalt  }
0x48: {  	_ =	shalt  }
0x49: {  	_ =	shalt  }
0x4a: {  	_ =	shalt  }
0x4b: {  	_ =	shalt  }
0x4c: {  	_ =	shalt  }
0x4d: {  	_ =	shalt  }
0x4e: {  	_ =	shalt  }
0x4f: {  	_ =	shalt  }
0x50: {  	_ =	shalt  }
0x51: {  	_ =	shalt  }
0x52: {  	_ =	shalt  }
0x53: {  	_ =	shalt  }
0x54: {  	_ =	shalt  }
0x55: {  	_ =	shalt  }
0x56: {  	_ =	shalt  }
0x57: {  	_ =	shalt  }
0x58: {  	_ =	shalt  }
0x59: {  	_ =	shalt  }
0x5a: {  	_ =	shalt  }
0x5b: {  	_ =	shalt  }
0x5c: {  	_ =	shalt  }
0x5d: {  	_ =	shalt  }
0x5e: {  	_ =	shalt  }
0x5f: {  	_ =	shalt  }
0x60: {  	_ =	shalt  }
0x61: {  	_ =	shalt  }
0x62: {  	_ =	shalt  }
0x63: {  	_ =	shalt  }
0x64: {  	_ =	shalt  }
0x65: {  	_ =	shalt  }
0x66: {  	_ =	shalt  }
0x67: {  	_ =	shalt  }
0x68: {  	_ =	shalt  }
0x69: {  	_ =	shalt  }
0x6a: {  	_ =	shalt  }
0x6b: {  	_ =	shalt  }
0x6c: {  	_ =	shalt  }
0x6d: {  	_ =	shalt  }
0x6e: {  	_ =	shalt  }
0x6f: {  	_ =	shalt  }
0x70: {  	_ =	shalt  }
0x71: {  	_ =	shalt  }
0x72: {  	_ =	shalt  }
0x73: {  	_ =	shalt  }
0x74: {  	_ =	shalt  }
0x75: {  	_ =	shalt  }
0x76: {  	_ =	shalt  }
0x77: {  	_ =	shalt  }
0x78: {  	_ =	shalt  }
0x79: {  	_ =	shalt  }
0x7a: {  	_ =	shalt  }
0x7b: {  	_ =	shalt  }
0x7c: {  	_ =	shalt  }
0x7d: {  	_ =	shalt  }
0x7e: {  	_ =	shalt  }
0x7f: {  	_ =	shalt  }
0x80: {  	_ =	shalt  }
0x81: {  	_ =	shalt  }
0x82: {  	_ =	shalt  }
0x83: {  	_ =	shalt  }
0x84: {  	_ =	shalt  }
0x85: {  	_ =	shalt  }
0x86: {  	_ =	shalt  }
0x87: {  	_ =	shalt  }
.Lfunc_end0:
.L_simem_size_0:
called_computation.1_lowered:
.L_overlay_start_0:
0x88: {  	s2 =	sld [smem:$0x3FD9]  }
0x89: {  	s3 =	sld [smem:$0x3FFE];
	_ =	sdelay $0x1  }
0x8a: {  	s1 =	srdreg.scid  }
0x8b: {  	s0 =	sand.u32 $0x1, s1  }
0x8c: {  	s16 =	sshll.u32 s0, $0xA;
	s2 =	sadd.s32 s3, s2  }
0x8d: {  	s2 =	sadd.s32 s2, s16  }
0x8e: {  	[smem:$0x3FBD] =	sst s2  }
0x8f: {  	_ = 	snop  }
0x90: {  	(tm) =	ssettm $0x1  }
0x91: {  	s17 =	sld [smem:$0x3FFB];
	_ =	sdelay $0x3  }
0x92: {  	_ =	strace s17  }
0x93: {  	s2 =	sld [smem:$0x3FFC];
	_ =	sdelay $0x3  }
0x94: {  	_ =	strace s2  }
0x95: {  	s2 =	sld [smem:$0x3FFD];
	_ =	sdelay $0x3  }
0x96: {  	_ =	strace s2  }
0x97: {  	_ =	strace $0x8FFFFFFF  }
0x98: {  	s18 =	sld [smem:$0x3FDB];
	_ =	sdelay $0x1  }
0x99: {  	s19 =	simm.s32 $_scs_section_size  }
0x9a: {  	s4 =	simm.s32 $_size__tile_overlayer_lowered;
	s5 =	simm.s32 $_tile_overlayer_lowered  }
0x9b: {  	s22 =	simm.s32 $0x1BFF;
	s21 =	sshll.u32 s5, $0x1;
	s2 =	sadd.s32 s19, s18  }
0x9c: {  	s6 =	simm.s32 $0x0;
	s20 =	sshll.u32 s4, $0x1;
	s4 =	sadd.s32 s21, s2  }
0x9d: {  	[timem:s6], [sflag:s22] =	dma.local [hbm:s4], s20  }
0x9e: {  	_ =	swait.ge [sflag:s22], s20  }
0x9f: {  	s3 =	ssub.s32 $0x0, s20;
	[sflag:s22] =	ssyncset.done $0x0  }
0xa0: {  	[sflag:s22] =	ssyncadd.s32 s3;
	_ =	sdelay $0x1  }
0xa1: {  	s23 =	simm.s32 $0x1B8B  }
0xa2: {  	_ =	swait.ge [sflag:s23], $0x1  }
0xa3: {  	[sflag:s23] =	ssyncset.done $0x0  }
0xa4: {  	s25 =	simm.s32 $0x1B8E;
	s24 =	sld [smem:$0x3FFE];
	[sflag:s23] =	ssyncadd.s32 $0xFFFFFFFF  }
0xa5: {  	s26 =	simm.s32 $execute0_lowered;
	[smem:$0x3FD2] =	sst s25  }
0xa6: {  	s4 =	sshll.u32 s26, $0x1;
	_ =	strace $0x80000049;
	[dreg:$0x1] =	wrdreg $0xFFFFFFFF  }
0xa7: {  	s28 =	simm.s32 $_size_execute0_lowered;
	s2 =	sadd.s32 s2, s4;
	[dreg:$0x0] =	wrdreg $0x0  }
0xa8: {  	s4 =	sshll.u32 s28, $0x1;
	[dreg:$0x2] =	wrdreg s2  }
0xa9: {  	[dreg:$0x3] =	wrdreg s4  }
0xaa: {  	[dreg:$0x4] =	wrdreg $0xC0  }
0xab: {  	_ =	task [dreg:s6], $0x5FFFF  }
0xac: {  	[dreg:$0x1] =	wrdreg $0xFFFFFFFF  }
0xad: {  	[dreg:$0x0] =	wrdreg $0x60  }
0xae: {  	[dreg:$0x2] =	wrdreg s24  }
0xaf: {  	[dreg:$0x3] =	wrdreg $0x6D000  }
0xb0: {  	[dreg:$0x4] =	wrdreg $0x94800  }
0xb1: {  	[dreg:$0x5] =	wrdreg $0x9  }
0xb2: {  	_ =	task.clear_ibuf [dreg:s6], $0x6FFFF;
	_ =	strace $0x90000049  }
0xb3: {  	s29 =	simm.s32 $0x9;
	_ =	strace $0x8000004B  }
0xb4: {  	_ =	swait.ge [sflag:s29], $0x1  }
0xb5: {  	[sflag:s29] =	ssyncadd.s32 $0xFFFFFFFF  }
0xb6: {  	_ =	strace $0x9000004B  }
0xb7: {  	_ =	sfence  }
0xb8: {  	s30 =	sld [smem:$0x0];
	_ =	sdelay $0x2  }
0xb9: {  	s31 =	sshll.u32 s1, $0xD;
	s1 =	sshrl.u32 s1, $0x2  }
0xba: {  	s3 =	sand.u32 $0x4000, s31;
	s1 =	sadd.s32 s1, s30  }
0xbb: {  	s0 =	sor.u32 s3, s0;
	s1 =	sshll.u32 s1, $0x11  }
0xbc: {  	s0 =	sor.u32 s1, s0  }
0xbd: {  	s0 =	sadd.s32 $0x8F2B, s0  }
0xbe: {  	[sflag:s0] =	ssyncadd.remote.s32 $0x1  }
0xbf: {  	_ =	sfence.sel $0xFFFF  }
0xc0: {  	[dreg:$0x0] =	wrdreg $0xFFFFFFFF;
	(pc) =	sbr.abs _section_cstart, $3  }
0xc1: {  	[dreg:$0x1] =	wrdreg $0xFFFFFFFF  }
0xc2: {  	_ =	task.clear_ibuf [dreg:s6], $0x2FFFF;
	_ =	strace $0x9FFFFFFF  }
0xc3: {  	(tm) =	ssettm $0x7FFFFFFF  }
tec
execute0_lowered:
.L_overlay_start_1:
0x0: {  	(tag) =	ssettag $0x1  }
0x1: {  	s5 =	rddreg [dreg:$0x0]  }
0x2: {  	s1 =	srdreg.scid;
	s2 =	rddreg [dreg:$0x1]  }
0x3: {  	s0 =	stileid.u32;
	s3 =	rddreg [dreg:$0x2]  }
0x4: {  	s4 =	simm.s32 $0x0;
	s16 =	simm.s32 $0x80;
	s17 =	simm.s32 $0x5D00  }
0x5: {  	s18 =	simm.s32 $0x6500;
	s19 =	simm.s32 $0x1;
	s7 =	smul.u32 $0xA0, s0  }
0x6: {  	s20 =	simm.s32 $0x2;
	s21 =	simm.s32 $0x0;
	s9 =	smul.u32 $0x2780, s0  }
0x7: {  	s6 =	sand.u32 $0x1, s1;
	s1 =	rddreg [dreg:$0x3];
	s26 =	smul.u32 $0x13880, s0  }
0x8: {  	[smem:$0x7FF] =	sst s4;
	s31 =	sshll.u32 s0, $0x6;
	s8 =	smul.u32 $0x5C, s6  }
0x9: {  	s11 =	smul.u32 $0x27800, s6;
	_ =	strace $0x8000004A;
	s13 =	ssub.s32 $0x2, s6  }
0xa: {  	p0 =	seq.s32 s6, $0x0;
	s6 =	sor.u32 $0x1C03, s31;
	s10 =	sshrl.u32 s9, $0x3  }
0xb: {  	s29 =	sshrl.u32 s26, $0x3;
	s14 =	sshrl.u32 s13, $0x1;
	s30 =	sadd.s32 s9, s2  }
0xc: {  	s15 =	sadd.s32 s26, s3;
	s7 =	sadd.s32 s8, s7;
	s28 =	sadd.s32 s10, s5  }
0xd: {  	s11 =	sadd.s32 s9, s11;
	s10 =	sadd.s32 s29, s5;
	s13 =	ssub.s32 s13, s14  }
0xe: {  	s14 =	simm.s32 $0x3;
	s7 =	sshll.u32 s7, $0x4;
	s11 =	sshrl.u32 s11, $0x3  }
0xf: {  	s15 =	sshrl.u32 s15, $0x3;
	s12 =	sadd.s32 s7, s5;
	s11 =	sadd.s32 s11, s5  }
0x10: {  	s5 =	sadd.s32 $0x1C00, s28;
	s7 =	sadd.s32 $0x16C00, s10;
	s10 =	simm.s32 $0x2E  }
0x11: {  	s8 =	sadd.s32 $0xEE400, s12;
	s9 =	sadd.s32 $0xC400, s12;
	s10 =	simm.s32 @!p0 $0x22  }
0x12: {  	s11 =	sadd.s32 $0x3DE00, s11;
	s12 =	smax.u32 s13, $0x1;
	s13 =	sshrl.u32 s30, $0x3  }
.LBB2_1:
0x13: {  	[spmem:s13], [sflag:s6] =	dma.local [hbm:s5], $0x4F0  }
0x14: {  	_ =	swait.ge [sflag:s14], $0x4F0  }
0x15: {  	[sflag:s14] =	ssyncset.done $0x0  }
0x16: {  	[sflag:s14] =	ssyncadd.s32 $0xFFFFFB10  }
0x17: {  	[spmem:s15], [sflag:s6] =	dma.local [hbm:s7], $0x2710  }
0x18: {  	_ =	swait.ge [sflag:s14], $0x2710  }
0x19: {  	[sflag:s14] =	ssyncset.done $0x0  }
0x1a: {  	[sflag:s14] =	ssyncadd.s32 $0xFFFFD8F0  }
0x1b: {  	[tilespmem:s4], [sflag:$0x3] =	stream.linear.gather [hbm4b:s8+s4], $0x2F00, $0x38;
	[tilespmem:$0x1CD00] =	vst v63  }
0x1c: {  	_ =	swait.ge [sflag:s14], $0x2F00  }
0x1d: {  	[sflag:s14] =	ssyncset.done $0x0  }
0x1e: {  	s22 =	simm.s32 $0x2F00;
	p1 =	sne.s32 s10, $0x1;
	[sflag:s14] =	ssyncadd.s32 $0xFFFFD100  }
0x1f: {  	[tilespmem:s22], [sflag:$0x3] =	stream.linear.gather [hbm4b:s9+s4], $0x2E00, $0x38;
	[tilespmem:$0x1CD00] =	vst v63  }
.Ltmp0:
0x20: {  	_ =	swait.ge [sflag:s14], $0x2E00;
	(pc) =	sbr.rel @!p1 .LBB2_2-.Ltmp0, $4  }
0x21: {  	[sflag:s14] =	ssyncset.done $0x0  }
0x22: {  	s23 =	simm.s32 $0x100;
	[sflag:s14] =	ssyncadd.s32 $0xFFFFD200  }
0x23: {  	s24 =	sadd.s32 $0xFFFFFFFF, s10;
	p0 =	por $0x0, $0x0;
	[bflag:$0x0] =	sbarrier.arrive $0xFFFF  }
0x24: {  	[tilespmem:s17], [sflag:$0x1] =	stream.indirect.gather [spmem:s3], $0x10, s4, s16, $0xb8;
	[tilespmem:$0x1CD00] =	vst v63  }
0x25: {  	s25 =	simm.s32 $0x80  }
0x26: {  	[tilespmem:s18], [sflag:$0x2] =	stream.indirect.gather [spmem:s3], $0x10, s25, s16, $0xb8;
	[tilespmem:$0x1CD00] =	vst v63  }
0x27: {  	_ =	swait.ge [sflag:s19], $0x800  }
0x28: {  	[sflag:s19] =	ssyncset.done $0x0  }
0x29: {  	[sflag:s19] =	ssyncadd.s32 $0xFFFFF800  }
0x2a: {  	[spmem:s2] =	stream.indirect.scatter.add.f32 [tilespmem:s17], [sflag:$0x3], $0x10, s22, s16, $0xb8;
	[tilespmem:$0x1CD00] =	vst v63  }
0x2b: {  	_ =	swait.ge [sflag:s14], $0x800  }
0x2c: {  	[sflag:s14] =	ssyncset.done $0x0  }
0x2d: {  	[sflag:s14] =	ssyncadd.s32 $0xFFFFF800  }
0x2e: {  	[tilespmem:s17], [sflag:$0x1] =	stream.indirect.gather [spmem:s3], $0x10, s23, s16, $0xb8;
	[tilespmem:$0x1CD00] =	vst v63  }
0x2f: {  	p1 =	sne.s32 s24, $0x1;
	_ =	swait.ge [sflag:s20], $0x800  }
.Ltmp1:
0x30: {  	[sflag:s20] =	ssyncset.done $0x0;
	(pc) =	sbr.rel @!p1 .LBB2_4-.Ltmp1, $4  }
0x31: {  	s31 =	simm.s32 $0x2F80;
	[sflag:s20] =	ssyncadd.s32 $0xFFFFF800  }
0x32: {  	[spmem:s2] =	stream.indirect.scatter.add.f32 [tilespmem:s18], [sflag:$0x3], $0x10, s31, s16, $0xb8;
	[tilespmem:$0x1CD00] =	vst v63  }
0x33: {  	p0 =	por $0x1, $0x1;
	s25 =	sadd.s32 $0xFFFFFFFF, s24;
	_ =	swait.ge [sflag:s14], $0x800  }
0x34: {  	s24 =	simm.s32 $0x2F00;
	s23 =	simm.s32 $0x200;
	[sflag:s14] =	ssyncset.done $0x0  }
.LBB2_5:
0x35: {  	s26 =	sadd.s32 $0xFFFFFF80, s23;
	[sflag:s14] =	ssyncadd.s32 $0xFFFFF800;
	s24 =	sadd.s32 $0x100, s24  }
0x36: {  	[tilespmem:s18], [sflag:$0x2] =	stream.indirect.gather [spmem:s3], $0x10, s26, s16, $0xb8;
	[tilespmem:$0x1CD00] =	vst v63  }
0x37: {  	p1 =	sne.s32 s25, $0x1;
	s25 =	sadd.s32 $0xFFFFFFFF, s25;
	_ =	swait.ge [sflag:s19], $0x800  }
0x38: {  	[sflag:s19] =	ssyncset.done $0x0  }
0x39: {  	[sflag:s19] =	ssyncadd.s32 $0xFFFFF800  }
0x3a: {  	[spmem:s2] =	stream.indirect.scatter.add.f32 [tilespmem:s17], [sflag:$0x3], $0x10, s24, s16, $0xb8;
	[tilespmem:$0x1CD00] =	vst v63  }
0x3b: {  	_ =	swait.ge [sflag:s14], $0x800  }
0x3c: {  	[sflag:s14] =	ssyncset.done $0x0  }
0x3d: {  	[sflag:s14] =	ssyncadd.s32 $0xFFFFF800  }
0x3e: {  	[tilespmem:s17], [sflag:$0x1] =	stream.indirect.gather [spmem:s3], $0x10, s23, s16, $0xb8;
	[tilespmem:$0x1CD00] =	vst v63  }
0x3f: {  	_ =	swait.ge [sflag:s20], $0x800  }
.Ltmp2:
0x40: {  	[sflag:s20] =	ssyncset.done $0x0;
	(pc) =	sbr.rel @p1 .LBB2_5-.Ltmp2, $4  }
0x41: {  	s26 =	sadd.s32 $0x80, s24;
	[sflag:s20] =	ssyncadd.s32 $0xFFFFF800  }
0x42: {  	[spmem:s2] =	stream.indirect.scatter.add.f32 [tilespmem:s18], [sflag:$0x3], $0x10, s26, s16, $0xb8;
	[tilespmem:$0x1CD00] =	vst v63  }
0x43: {  	_ =	swait.ge [sflag:s14], $0x800  }
0x44: {  	s23 =	sadd.s32 $0x100, s23;
	[sflag:s14] =	ssyncset.done $0x0  }
.LBB2_6:
0x45: {  	s25 =	sadd.s32 $0xFFFFFF80, s23;
	[sflag:s14] =	ssyncadd.s32 @p0 $0xFFFFF800  }
0x46: {  	[tilespmem:s18], [sflag:$0x2] =	stream.indirect.gather [spmem:s3], $0x10, s25, s16, $0xb8;
	[tilespmem:$0x1CD00] =	vst v63  }
0x47: {  	_ =	swait.ge [sflag:s19], $0x800  }
0x48: {  	s24 =	sadd.s32 @p0 $0x100, s24;
	[sflag:s19] =	ssyncset.done $0x0  }
0x49: {  	s22 =	smov.u32 @p0 s24;
	[sflag:s19] =	ssyncadd.s32 $0xFFFFF800  }
0x4a: {  	[spmem:s2] =	stream.indirect.scatter.add.f32 [tilespmem:s17], [sflag:$0x3], $0x10, s22, s16, $0xb8;
	[tilespmem:$0x1CD00] =	vst v63  }
0x4b: {  	_ =	swait.ge [sflag:s14], $0x800  }
0x4c: {  	[sflag:s14] =	ssyncset.done $0x0  }
0x4d: {  	[sflag:s14] =	ssyncadd.s32 $0xFFFFF800  }
0x4e: {  	[tilespmem:s17], [sflag:$0x1] =	stream.indirect.gather [spmem:s3], $0x10, s23, s16, $0xb8;
	[tilespmem:$0x1CD00] =	vst v63  }
0x4f: {  	_ =	swait.ge [sflag:s20], $0x800  }
0x50: {  	[sflag:s20] =	ssyncset.done $0x0  }
0x51: {  	s22 =	sadd.s32 $0x80, s22;
	[sflag:s20] =	ssyncadd.s32 $0xFFFFF800  }
0x52: {  	[spmem:s2] =	stream.indirect.scatter.add.f32 [tilespmem:s18], [sflag:$0x3], $0x10, s22, s16, $0xb8;
	[tilespmem:$0x1CD00] =	vst v63  }
0x53: {  	_ =	swait.ge [sflag:s14], $0x800  }
0x54: {  	[sflag:s14] =	ssyncset.done $0x0  }
0x55: {  	[sflag:s14] =	ssyncadd.s32 $0xFFFFF800  }
0x56: {  	_ =	swait.ge [sflag:s19], $0x800  }
0x57: {  	[sflag:s19] =	ssyncset.done $0x0  }
0x58: {  	s21 =	sadd.s32 $0x1, s21;
	[sflag:s19] =	ssyncadd.s32 $0xFFFFF800  }
0x59: {  	p0 =	sne.s32 s21, s12;
	[bflag:$0x0] =	sbarrier.arrive $0xFFFF  }
0x5a: {  	[hbm:s11], [sflag:s6] =	dma.local [spmem:s13], $0x4F0  }
.Ltmp3:
0x5b: {  	_ = 	snop;
	(pc) =	sbr.rel @p0 .LBB2_1-.Ltmp3, $4  }
.Ltmp4:
0x5c: {  	_ = 	snop;
	(pc) =	sbr.rel @!p0 .LBB2_7-.Ltmp4, $4  }
0x5d: {  	_ =	swait.ge [sflag:s14], $0x4F0  }
0x5e: {  	[sflag:s14] =	ssyncset.done $0x0  }
0x5f: {  	[sflag:s14] =	ssyncadd.s32 $0xFFFFFB10  }
0x60: {  	_ = 	snop  }
.LBB2_2:
.Ltmp5:
0x61: {  	(pc) =	sbr.rel .LBB2_6-.Ltmp5, $2  }
0x62: {  	_ =	sdelay $0x2  }
0x63: {  	s24 =	simm.s32 $0x2F00  }
.LBB2_4:
.Ltmp6:
0x64: {  	(pc) =	sbr.rel .LBB2_6-.Ltmp6, $2  }
0x65: {  	_ =	sdelay $0x2  }
0x66: {  	s24 =	simm.s32 $0x2F00  }
.LBB2_7:
0x67: {  	_ =	sfence.sel $0x180000  }
0x68: {  	[bflag:$0x0] =	sbarrier.arrive $0xFFFF  }
0x69: {  	p0 =	sne.s32 s0, $0x0;
	_ =	strace $0x9000004A  }
0x6a: {  	s0 =	sadd.s32 @!p0 $0x100000, s1;
	[bflag:$0x2] =	sbarrier.arrive $0xFFFF  }
0x6b: {  	[sflag:s0] =	ssyncadd.tile.s32 @!p0 $0x1;
	_ =	shalt  }
.Lfunc_end2:
_tile_overlayer_lowered:
.L_overlay_start_2:
0x6c: {  	(tag) =	ssettag $0x2  }
0x6d: {  	s0 =	rddreg [dreg:$0x0];
	s2 =	stileid.u32  }
0x6e: {  	s1 =	rddreg [dreg:$0x1];
	p0 =	sne.s32 s2, $0x0  }
0x6f: {  	s3 =	rddreg [dreg:$0x2];
	[bflag:$0x3] =	sbarrier.arrive $0xFFFF;
	s2 =	simm.s32 @!p0 $0x1C03  }
0x70: {  	[timem:s3], [sflag:s2] =	dma.local @!p0 [hbm:s0], s1  }
0x71: {  	s0 =	simm.s32 @!p0 $0x3  }
0x72: {  	_ =	swait.ge @!p0 [sflag:s0], s1  }
0x73: {  	s1 =	ssub.s32 @!p0 $0x0, s1;
	[sflag:s0] =	ssyncset.done @!p0 $0x0  }
0x74: {  	[sflag:s0] =	ssyncadd.s32 @!p0 s1  }
0x75: {  	[bflag:$0x3] =	sbarrier.arrive $0xFFFF  }
0x76: {  	_ =	shalt  }

// kernel: kernel.7.cloned.1.call-start
scs
__scs_entry_jumppad:
0x0: {  	(pc) =	sbr.rel $0x88, $3  }
0x1: {  	(tag) =	ssettag $0x0;
	lr =	simm.s32 $0x1  }
0x2: {  	[smem:$0x3F96] =	sst lr;
	_ =	strace $0xD0000000  }
0x3: {  	_ = 	snop  }
0x4: {  	_ = 	snop  }
0x5: {  	_ = 	snop  }
0x6: {  	_ = 	snop  }
0x7: {  	_ = 	snop  }
__scs_overlays_trampoline_lowered:
0x8: {  	[smem:$0x3FA5] =	sst s0  }
0x9: {  	[smem:$0x3FA6] =	sst s1  }
0xa: {  	[smem:$0x3FA7] =	sst s2  }
0xb: {  	[smem:$0x3FA8] =	sst s3  }
0xc: {  	[smem:$0x3FA9] =	sst s4  }
0xd: {  	[smem:$0x3FAA] =	sst s5  }
0xe: {  	[smem:$0x3FAB] =	sst s6  }
0xf: {  	[smem:$0x3FAC] =	sst s7  }
0x10: {  	[smem:$0x3FAD] =	sst s8  }
0x11: {  	[smem:$0x3FAE] =	sst s9;
	s0 =	simm.s32 @!p0 $0x0  }
0x12: {  	s1 =	sld [smem:$0x3F94];
	s0 =	simm.s32 @p0 $0x1  }
0x13: {  	[smem:$0x3FAF] =	sst s0;
	s0 =	simm.s32 @!p1 $0x0  }
0x14: {  	s2 =	sld [smem:$0x3F93];
	s0 =	simm.s32 @p1 $0x1  }
0x15: {  	[smem:$0x3FB0] =	sst s0;
	s0 =	simm.s32 @!p2 $0x0  }
0x16: {  	s3 =	sld [smem:$0x3FDB];
	s0 =	simm.s32 @p2 $0x1  }
0x17: {  	s4 =	simm.s32 $0x1BF5;
	[smem:$0x3FB2] =	sst s0  }
0x18: {  	s0 =	sld [smem:$0x3F95];
	_ =	swait.ge [sflag:s4], $0x0  }
0x19: {  	s7 =	sld [smem:$0x3F96]  }
0x1a: {  	s8 =	sadd.s32 $0xFFFFE003, lr  }
0x1b: {  	s9 =	sadd.s32 $0xFFFFFEF7, lr;
	s5 =	simm.s32 $0xFFFFFFFF;
	p2 =	slt.u32 s8, $0xFFFFF086  }
0x1c: {  	p1 =	slt.u32 s9, $0xF7A;
	s5 =	simm.s32 @!p2 $0x0  }
0x1d: {  	s5 =	simm.s32 @p1 $0x1;
	p0 =	seq.s32 s7, s2  }
0x1e: {  	s7 =	smul.u32 @!p0 $0xF7A, s2;
	p2 =	seq.s32 @!p0 s5, $0x0  }
0x1f: {  	s9 =	smul.u32 $0xF7A, s1;
	s8 =	simm.s32 @!p0 $0x1BF5;
	p2 =	por !p2, p0  }
0x20: {  	[sflag:s8] =	ssyncset.s32 @!p0 $0xFFFFF086;
	s6 =	sadd.s32 @!p0 s3, s7;
	s7 =	simm.s32 @!p0 $0x108  }
0x21: {  	s3 =	sadd.s32 s3, s9;
	s6 =	sadd.s32 @!p0 $0x88, s6;
	s7 =	simm.s32 @p2 $0x1082  }
0x22: {  	[simem:s7], [sflag:s8] =	dma.local @!p0 [hbm:s6], $0xF7A  }
0x23: {  	s9 =	sor.u32 $0xD0000000, s2;
	s6 =	simm.s32 $0x108;
	_ =	swait.ge @!p0 [sflag:s8], $0x0  }
0x24: {  	s3 =	sadd.s32 $0x88, s3;
	s6 =	simm.s32 @!p1 $0x1082;
	[sflag:s4] =	ssyncset.s32 $0xFFFFF086  }
0x25: {  	[simem:s6], [sflag:s4] =	dma.local [hbm:s3], $0xF7A  }
0x26: {  	[smem:$0x3F96] =	sst s1;
	(tag) =	ssettag s2;
	_ =	strace s9  }
0x27: {  	s1 =	sld [smem:$0x3FA6]  }
0x28: {  	s2 =	sld [smem:$0x3FA7]  }
0x29: {  	s4 =	sld [smem:$0x3FA9]  }
0x2a: {  	p0 =	seq.s32 s5, $0x0;
	s5 =	sld [smem:$0x3FAA]  }
0x2b: {  	s6 =	sld [smem:$0x3FAB]  }
0x2c: {  	s7 =	sld [smem:$0x3FAC]  }
0x2d: {  	s3 =	simm.s32 $0x108;
	s8 =	sld [smem:$0x3FAD]  }
0x2e: {  	s3 =	simm.s32 @!p0 $0x1082;
	s9 =	sld [smem:$0x3FAE]  }
0x2f: {  	lr =	sadd.s32 s0, s3;
	s0 =	sld [smem:$0x3FA5]  }
0x30: {  	s3 =	sld [smem:$0x3FA8]  }
0x31: {  	[smem:$0x3FB1] =	sst s10  }
0x32: {  	s10 =	sld [smem:$0x3FAF];
	_ =	sdelay $0x3  }
0x33: {  	p0 =	seq.s32 s10, $0x1;
	s10 =	sld [smem:$0x3FB1];
	_ =	sdelay $0x3  }
0x34: {  	[smem:$0x3FB1] =	sst s10  }
0x35: {  	s10 =	sld [smem:$0x3FB0];
	_ =	sdelay $0x3  }
0x36: {  	p1 =	seq.s32 s10, $0x1;
	s10 =	sld [smem:$0x3FB1];
	_ =	sdelay $0x3  }
0x37: {  	[smem:$0x3FB1] =	sst s10  }
0x38: {  	s10 =	sld [smem:$0x3FB2]  }
0x39: {  	_ = 	snop;
	(pc) =	sbr.ind lr, $3  }
0x3a: {  	_ = 	snop  }
0x3b: {  	_ = 	snop  }
0x3c: {  	p2 =	seq.s32 s10, $0x1;
	s10 =	sld [smem:$0x3FB1]  }
0x3d: {  	_ =	shalt  }
0x3e: {  	_ =	shalt  }
0x3f: {  	_ =	shalt  }
0x40: {  	_ =	shalt  }
0x41: {  	_ =	shalt  }
0x42: {  	_ =	shalt  }
0x43: {  	_ =	shalt  }
0x44: {  	_ =	shalt  }
0x45: {  	_ =	shalt  }
0x46: {  	_ =	shalt  }
0x47: {  	_ =	shalt  }
0x48: {  	_ =	shalt  }
0x49: {  	_ =	shalt  }
0x4a: {  	_ =	shalt  }
0x4b: {  	_ =	shalt  }
0x4c: {  	_ =	shalt  }
0x4d: {  	_ =	shalt  }
0x4e: {  	_ =	shalt  }
0x4f: {  	_ =	shalt  }
0x50: {  	_ =	shalt  }
0x51: {  	_ =	shalt  }
0x52: {  	_ =	shalt  }
0x53: {  	_ =	shalt  }
0x54: {  	_ =	shalt  }
0x55: {  	_ =	shalt  }
0x56: {  	_ =	shalt  }
0x57: {  	_ =	shalt  }
0x58: {  	_ =	shalt  }
0x59: {  	_ =	shalt  }
0x5a: {  	_ =	shalt  }
0x5b: {  	_ =	shalt  }
0x5c: {  	_ =	shalt  }
0x5d: {  	_ =	shalt  }
0x5e: {  	_ =	shalt  }
0x5f: {  	_ =	shalt  }
0x60: {  	_ =	shalt  }
0x61: {  	_ =	shalt  }
0x62: {  	_ =	shalt  }
0x63: {  	_ =	shalt  }
0x64: {  	_ =	shalt  }
0x65: {  	_ =	shalt  }
0x66: {  	_ =	shalt  }
0x67: {  	_ =	shalt  }
0x68: {  	_ =	shalt  }
0x69: {  	_ =	shalt  }
0x6a: {  	_ =	shalt  }
0x6b: {  	_ =	shalt  }
0x6c: {  	_ =	shalt  }
0x6d: {  	_ =	shalt  }
0x6e: {  	_ =	shalt  }
0x6f: {  	_ =	shalt  }
0x70: {  	_ =	shalt  }
0x71: {  	_ =	shalt  }
0x72: {  	_ =	shalt  }
0x73: {  	_ =	shalt  }
0x74: {  	_ =	shalt  }
0x75: {  	_ =	shalt  }
0x76: {  	_ =	shalt  }
0x77: {  	_ =	shalt  }
0x78: {  	_ =	shalt  }
0x79: {  	_ =	shalt  }
0x7a: {  	_ =	shalt  }
0x7b: {  	_ =	shalt  }
0x7c: {  	_ =	shalt  }
0x7d: {  	_ =	shalt  }
0x7e: {  	_ =	shalt  }
0x7f: {  	_ =	shalt  }
0x80: {  	_ =	shalt  }
0x81: {  	_ =	shalt  }
0x82: {  	_ =	shalt  }
0x83: {  	_ =	shalt  }
0x84: {  	_ =	shalt  }
0x85: {  	_ =	shalt  }
0x86: {  	_ =	shalt  }
0x87: {  	_ =	shalt  }
.Lfunc_end0:
.L_simem_size_0:
called_computation_lowered:
.L_overlay_start_0:
0x88: {  	s2 =	sld [smem:$0x3FD9]  }
0x89: {  	s3 =	sld [smem:$0x3FFE];
	_ =	sdelay $0x1  }
0x8a: {  	s1 =	srdreg.scid  }
0x8b: {  	s0 =	sand.u32 $0x1, s1  }
0x8c: {  	s16 =	sshll.u32 s0, $0xA;
	s2 =	sadd.s32 s3, s2  }
0x8d: {  	s2 =	sadd.s32 s2, s16  }
0x8e: {  	[smem:$0x3FBD] =	sst s2  }
0x8f: {  	_ = 	snop  }
0x90: {  	(tm) =	ssettm $0x1  }
0x91: {  	s17 =	sld [smem:$0x3FFB];
	_ =	sdelay $0x3  }
0x92: {  	_ =	strace s17  }
0x93: {  	s2 =	sld [smem:$0x3FFC];
	_ =	sdelay $0x3  }
0x94: {  	_ =	strace s2  }
0x95: {  	s2 =	sld [smem:$0x3FFD];
	_ =	sdelay $0x3  }
0x96: {  	_ =	strace s2  }
0x97: {  	_ =	strace $0x8FFFFFFF  }
0x98: {  	s18 =	sld [smem:$0x3FDB];
	_ =	sdelay $0x1  }
0x99: {  	s19 =	simm.s32 $_scs_section_size  }
0x9a: {  	s4 =	simm.s32 $_size__tile_overlayer_lowered;
	s5 =	simm.s32 $_tile_overlayer_lowered  }
0x9b: {  	s22 =	simm.s32 $0x1BFF;
	s21 =	sshll.u32 s5, $0x1;
	s2 =	sadd.s32 s19, s18  }
0x9c: {  	s6 =	simm.s32 $0x0;
	s20 =	sshll.u32 s4, $0x1;
	s4 =	sadd.s32 s21, s2  }
0x9d: {  	[timem:s6], [sflag:s22] =	dma.local [hbm:s4], s20  }
0x9e: {  	_ =	swait.ge [sflag:s22], s20  }
0x9f: {  	s3 =	ssub.s32 $0x0, s20;
	[sflag:s22] =	ssyncset.done $0x0  }
0xa0: {  	[sflag:s22] =	ssyncadd.s32 s3;
	_ =	sdelay $0x1  }
0xa1: {  	s23 =	simm.s32 $0x1B8B  }
0xa2: {  	_ =	swait.ge [sflag:s23], $0x1  }
0xa3: {  	[sflag:s23] =	ssyncset.done $0x0  }
0xa4: {  	s25 =	simm.s32 $0x1B8E;
	s24 =	sld [smem:$0x3FFE];
	[sflag:s23] =	ssyncadd.s32 $0xFFFFFFFF  }
0xa5: {  	s26 =	simm.s32 $execute0_lowered;
	[smem:$0x3FD2] =	sst s25  }
0xa6: {  	s4 =	sshll.u32 s26, $0x1;
	_ =	strace $0x80000046;
	[dreg:$0x1] =	wrdreg $0xFFFFFFFF  }
0xa7: {  	s28 =	simm.s32 $_size_execute0_lowered;
	s2 =	sadd.s32 s2, s4;
	[dreg:$0x0] =	wrdreg $0x0  }
0xa8: {  	s4 =	sshll.u32 s28, $0x1;
	[dreg:$0x2] =	wrdreg s2  }
0xa9: {  	[dreg:$0x3] =	wrdreg s4  }
0xaa: {  	[dreg:$0x4] =	wrdreg $0xC0  }
0xab: {  	_ =	task [dreg:s6], $0x5FFFF  }
0xac: {  	[dreg:$0x1] =	wrdreg $0xFFFFFFFF  }
0xad: {  	[dreg:$0x0] =	wrdreg $0x60  }
0xae: {  	[dreg:$0x2] =	wrdreg s24  }
0xaf: {  	[dreg:$0x3] =	wrdreg $0x8F000  }
0xb0: {  	[dreg:$0x4] =	wrdreg $0x9  }
0xb1: {  	_ =	task.clear_ibuf [dreg:s6], $0x5FFFF;
	_ =	strace $0x90000046  }
0xb2: {  	s29 =	simm.s32 $0x9;
	_ =	strace $0x80000048  }
0xb3: {  	_ =	swait.ge [sflag:s29], $0x1  }
0xb4: {  	[sflag:s29] =	ssyncadd.s32 $0xFFFFFFFF  }
0xb5: {  	_ =	strace $0x90000048  }
0xb6: {  	_ =	sfence  }
0xb7: {  	s30 =	sld [smem:$0x0];
	_ =	sdelay $0x2  }
0xb8: {  	s31 =	sshll.u32 s1, $0xD;
	s1 =	sshrl.u32 s1, $0x2  }
0xb9: {  	s3 =	sand.u32 $0x4000, s31;
	s1 =	sadd.s32 s1, s30  }
0xba: {  	s0 =	sor.u32 s3, s0;
	s1 =	sshll.u32 s1, $0x11  }
0xbb: {  	s0 =	sor.u32 s1, s0  }
0xbc: {  	s0 =	sadd.s32 $0x8F2B, s0  }
0xbd: {  	[sflag:s0] =	ssyncadd.remote.s32 $0x1  }
0xbe: {  	_ =	sfence.sel $0xFFFF  }
0xbf: {  	[dreg:$0x0] =	wrdreg $0xFFFFFFFF;
	(pc) =	sbr.abs _section_cstart, $3  }
0xc0: {  	[dreg:$0x1] =	wrdreg $0xFFFFFFFF  }
0xc1: {  	_ =	task.clear_ibuf [dreg:s6], $0x2FFFF;
	_ =	strace $0x9FFFFFFF  }
0xc2: {  	(tm) =	ssettm $0x7FFFFFFF  }
0xc3: {  	_ =	shalt  }
tec
execute0_lowered:
.L_overlay_start_1:
0x0: {  	(tag) =	ssettag $0x1  }
0x1: {  	s1 =	srdreg.scid  }
0x2: {  	s0 =	stileid.u32;
	s5 =	rddreg [dreg:$0x0]  }
0x3: {  	s2 =	rddreg [dreg:$0x1];
	s3 =	simm.s32 $0x0;
	s14 =	simm.s32 $0x80  }
0x4: {  	s15 =	simm.s32 $0x6F00;
	s16 =	simm.s32 $0x1;
	s4 =	smul.u32 $0xA0, s0  }
0x5: {  	s6 =	sand.u32 $0x1, s1;
	s1 =	rddreg [dreg:$0x2];
	s8 =	smul.u32 $0x9E00, s0  }
0x6: {  	s17 =	simm.s32 $0x0;
	[smem:$0x7FF] =	sst s3;
	s7 =	smul.u32 $0x6F, s6  }
0x7: {  	s31 =	sshll.u32 s0, $0x6;
	s28 =	smul.u32 $0x9E000, s6;
	_ =	strace $0x80000047  }
0x8: {  	s11 =	ssub.s32 $0x2, s6;
	p0 =	seq.s32 s6, $0x0;
	s29 =	sshrl.u32 s8, $0x3  }
0x9: {  	s30 =	sshrl.u32 s11, $0x1;
	s13 =	sadd.s32 s8, s2;
	s4 =	sadd.s32 s7, s4  }
0xa: {  	s7 =	sadd.s32 s8, s28;
	s10 =	sadd.s32 s29, s5;
	s11 =	ssub.s32 s11, s30  }
0xb: {  	s4 =	sshll.u32 s4, $0x4;
	s7 =	sshrl.u32 s7, $0x3;
	s6 =	sadd.s32 $0xB3000, s10  }
0xc: {  	s11 =	smax.u32 s11, $0x1;
	s9 =	sadd.s32 s4, s5;
	s4 =	sadd.s32 $0x16C00, s5  }
0xd: {  	s12 =	sadd.s32 s7, s5;
	s5 =	simm.s32 $0x6F;
	s7 =	sor.u32 $0x1C02, s31  }
0xe: {  	s5 =	simm.s32 @!p0 $0x31;
	s8 =	sadd.s32 $0x1C00, s9;
	s9 =	sadd.s32 $0xC400, s9  }
0xf: {  	s10 =	sadd.s32 $0xC6C00, s12;
	s12 =	sshrl.u32 s13, $0x3;
	s13 =	simm.s32 $0x2  }
.LBB2_1:
0x10: {  	[spmem:s12], [sflag:s7] =	dma.local [hbm:s6], $0x13C0  }
0x11: {  	_ =	swait.ge [sflag:s13], $0x13C0  }
0x12: {  	[sflag:s13] =	ssyncset.done $0x0  }
0x13: {  	[sflag:s13] =	ssyncadd.s32 $0xFFFFEC40  }
0x14: {  	[tilespmem:s3], [sflag:$0x2] =	stream.linear.gather [hbm4b:s8+s3], $0x3780, $0x38;
	[tilespmem:$0x12D00] =	vst v63  }
0x15: {  	_ =	swait.ge [sflag:s13], $0x3780  }
0x16: {  	[sflag:s13] =	ssyncset.done $0x0  }
0x17: {  	s18 =	simm.s32 $0x3780;
	[sflag:s13] =	ssyncadd.s32 $0xFFFFC880  }
0x18: {  	[tilespmem:s18], [sflag:$0x2] =	stream.linear.gather [hbm4b:s9+s3], $0x3780, $0x38;
	[tilespmem:$0x12D00] =	vst v63  }
0x19: {  	_ =	swait.ge [sflag:s13], $0x3780  }
0x1a: {  	[sflag:s13] =	ssyncset.done $0x0  }
0x1b: {  	[sflag:s13] =	ssyncadd.s32 $0xFFFFC880  }
0x1c: {  	[bflag:$0x0] =	sbarrier.arrive $0xFFFF  }
0x1d: {  	[tilespmem:s15], [sflag:$0x1] =	stream.indirect.gather [hbm4b:s4+s14], $0x40, s3, s14, $0xb8;
	[tilespmem:$0x12D00] =	vst v63  }
0x1e: {  	p0 =	sne.s32 s5, $0x1;
	_ =	swait.ge [sflag:s16], $0x2000  }
.Ltmp0:
0x1f: {  	[sflag:s16] =	ssyncset.done $0x0;
	(pc) =	sbr.rel @!p0 .LBB2_3-.Ltmp0, $4  }
0x20: {  	[sflag:s16] =	ssyncadd.s32 $0xFFFFE000  }
0x21: {  	[spmem:s2] =	stream.indirect.scatter.add.f32 [tilespmem:s15], [sflag:$0x2], $0x40, s18, s14, $0xb8;
	[tilespmem:$0x12D00] =	vst v63  }
0x22: {  	_ =	swait.ge [sflag:s13], $0x2000  }
0x23: {  	s19 =	sadd.s32 $0xFFFFFFFF, s5;
	s20 =	simm.s32 $0x0;
	[sflag:s13] =	ssyncset.done $0x0  }
.LBB2_2:
0x24: {  	[sflag:s13] =	ssyncadd.s32 $0xFFFFE000;
	s20 =	sadd.s32 $0x80, s20;
	s18 =	sadd.s32 $0x80, s18  }
0x25: {  	[tilespmem:s15], [sflag:$0x1] =	stream.indirect.gather [hbm4b:s4+s14], $0x40, s20, s14, $0xb8;
	[tilespmem:$0x12D00] =	vst v63  }
0x26: {  	p0 =	sne.s32 s19, $0x1;
	s19 =	sadd.s32 $0xFFFFFFFF, s19;
	_ =	swait.ge [sflag:s16], $0x2000  }
.Ltmp1:
0x27: {  	[sflag:s16] =	ssyncset.done $0x0;
	(pc) =	sbr.rel @p0 .LBB2_2-.Ltmp1, $4  }
0x28: {  	[sflag:s16] =	ssyncadd.s32 $0xFFFFE000  }
0x29: {  	[spmem:s2] =	stream.indirect.scatter.add.f32 [tilespmem:s15], [sflag:$0x2], $0x40, s18, s14, $0xb8;
	[tilespmem:$0x12D00] =	vst v63  }
0x2a: {  	_ =	swait.ge [sflag:s13], $0x2000  }
0x2b: {  	[sflag:s13] =	ssyncset.done $0x0  }
.LBB2_3:
0x2c: {  	s17 =	sadd.s32 $0x1, s17  }
0x2d: {  	[sflag:s13] =	ssyncadd.s32 $0xFFFFE000;
	p0 =	sne.s32 s17, s11  }
.Ltmp2:
0x2e: {  	[bflag:$0x0] =	sbarrier.arrive $0xFFFF;
	(pc) =	sbr.rel @p0 .LBB2_1-.Ltmp2, $4  }
0x2f: {  	[hbm:s10], [sflag:s7] =	dma.local [spmem:s12], $0x13C0  }
0x30: {  	_ =	swait.ge [sflag:s13], $0x13C0  }
0x31: {  	[sflag:s13] =	ssyncset.done $0x0  }
0x32: {  	[sflag:s13] =	ssyncadd.s32 $0xFFFFEC40  }
0x33: {  	_ =	sfence.sel $0x180000  }
0x34: {  	[bflag:$0x0] =	sbarrier.arrive $0xFFFF  }
0x35: {  	p0 =	sne.s32 s0, $0x0;
	_ =	strace $0x90000047  }
0x36: {  	s0 =	sadd.s32 @!p0 $0x100000, s1;
	[bflag:$0x2] =	sbarrier.arrive $0xFFFF  }
0x37: {  	[sflag:s0] =	ssyncadd.tile.s32 @!p0 $0x1;
	_ =	shalt  }
.Lfunc_end2:
_tile_overlayer_lowered:
.L_overlay_start_2:
0x38: {  	(tag) =	ssettag $0x2  }
0x39: {  	s0 =	rddreg [dreg:$0x0];
	s2 =	stileid.u32  }
0x3a: {  	s1 =	rddreg [dreg:$0x1];
	p0 =	sne.s32 s2, $0x0  }
0x3b: {  	s3 =	rddreg [dreg:$0x2];
	[bflag:$0x3] =	sbarrier.arrive $0xFFFF;
	s2 =	simm.s32 @!p0 $0x1C02  }
0x3c: {  	[timem:s3], [sflag:s2] =	dma.local @!p0 [hbm:s0], s1  }
0x3d: {  	s0 =	simm.s32 @!p0 $0x2  }
0x3e: {  	_ =	swait.ge @!p0 [sflag:s0], s1  }
0x3f: {  	s1 =	ssub.s32 @!p0 $0x0, s1;
	[sflag:s0] =	ssyncset.done @!p0 $0x0  }
0x40: {  	[sflag:s0] =	ssyncadd.s32 @!p0 s1  }
0x41: {  	[bflag:$0x3] =	sbarrier.arrive $0xFFFF  }
0x42: {  	_ =	shalt  }

</sc_bundles>
